<compile_context>
chip_gen: v7x
topology: tpu7x:2x2x1
jax: 0.10.2.dev20260603
libtpu: 0.0.44.dev20260713+nightly
codegen_flags: <defaults>
</compile_context>

<pallas_src>
import functools

import jax
import jax.numpy as jnp
from jax import lax
from jax.experimental import pallas as pl
from jax.experimental.pallas import tpu as pltpu
from jax.experimental.pallas import tpu_sc as plsc

E = 8
K = 2
H = 1024
I = 2816
T = 2048
B = 256
NB = (T * K + E * (B - 1) + B - 1) // B
P = NB * B


def _meta_body(lg_ref, d0_ref, d1_ref, w0_ref, w1_ref, be_ref, bv_ref):
    lg = lg_ref[...]
    lane = lax.broadcasted_iota(jnp.int32, (T, E), 1)
    neg = jnp.float32(-jnp.inf)
    m1 = jnp.max(lg, axis=1, keepdims=True)
    i1 = jnp.min(jnp.where(lg == m1, lane, E), axis=1, keepdims=True)
    is1 = lane == i1
    lg2 = jnp.where(is1, neg, lg)
    m2 = jnp.max(lg2, axis=1, keepdims=True)
    i2 = jnp.min(jnp.where(lg2 == m2, lane, E), axis=1, keepdims=True)
    is2 = lane == i2
    w0 = jax.nn.sigmoid(m1 - m2)
    mask = (is1 | is2).astype(jnp.int32)
    r_t = lax.broadcasted_iota(jnp.int32, (T, T), 0)
    c_t = lax.broadcasted_iota(jnp.int32, (T, T), 1)
    ltri = (c_t <= r_t).astype(jnp.bfloat16)
    csum_f = lax.dot_general(ltri, mask.astype(jnp.bfloat16),
                             (((1,), (0,)), ((), ())),
                             preferred_element_type=jnp.float32)
    csum = csum_f.astype(jnp.int32)
    pos = csum - mask
    counts = csum[T - 1:T, :]
    padded = ((counts + B - 1) // B) * B
    r_e = lax.broadcasted_iota(jnp.int32, (E, E), 0)
    c_e = lax.broadcasted_iota(jnp.int32, (E, E), 1)
    le_tri = (r_e <= c_e).astype(jnp.bfloat16)
    ends = lax.dot_general(padded.astype(jnp.bfloat16), le_tri,
                           (((1,), (0,)), ((), ())),
                           preferred_element_type=jnp.float32
                           ).astype(jnp.int32)
    starts = ends - padded
    slot = starts + pos
    d0_ref[...] = jnp.sum(jnp.where(is1, slot, 0), axis=1, keepdims=True)
    d1_ref[...] = jnp.sum(jnp.where(is2, slot, 0), axis=1, keepdims=True)
    w0_ref[...] = w0
    w1_ref[...] = 1.0 - w0
    bs = lax.broadcasted_iota(jnp.int32, (NB, E), 0) * B
    ends_b = jnp.broadcast_to(ends, (NB, E))
    be_ref[...] = jnp.minimum(
        jnp.sum((bs >= ends_b).astype(jnp.int32), axis=1, keepdims=True),
        E - 1)
    bv_ref[...] = (bs[:, :1] < ends_b[:, E - 1:E]).astype(jnp.int32)


def _routing_metadata(router_logits):
    shp = jax.ShapeDtypeStruct
    d0, d1, w0, w1, be, bv = pl.pallas_call(
        _meta_body,
        out_shape=(shp((T, 1), jnp.int32), shp((T, 1), jnp.int32),
                   shp((T, 1), jnp.float32), shp((T, 1), jnp.float32),
                   shp((NB, 1), jnp.int32), shp((NB, 1), jnp.int32)),
    )(router_logits)
    dest = jnp.concatenate([d0, d1], axis=1)
    flat_dest = dest.reshape(-1)
    tok = jnp.arange(T, dtype=jnp.int32)
    gather_tok = jnp.zeros((P,), jnp.int32).at[flat_dest].set(
        jnp.broadcast_to(tok[:, None], (T, K)).reshape(-1))
    w_sorted = jnp.zeros((P,), jnp.float32).at[flat_dest].set(
        jnp.concatenate([w0, w1], axis=1).reshape(-1))
    return dest, gather_tok, w_sorted, be.reshape(-1), bv.reshape(-1)


IC = 2
ICH = I // IC


def _gateup_body(be_ref, bv_ref, x_ref, w_ref, wg_ref, wu_ref, h_ref):
    b = pl.program_id(1)

    @pl.when(bv_ref[b] == 1)
    def _():
        x = x_ref[...]
        g = lax.dot_general(x, wg_ref[0], (((1,), (1,)), ((), ())),
                            preferred_element_type=jnp.float32)
        u = lax.dot_general(x, wu_ref[0], (((1,), (1,)), ((), ())),
                            preferred_element_type=jnp.float32)
        h_ref[...] = (g * jax.nn.sigmoid(g) * u
                      * w_ref[...]).astype(jnp.bfloat16)


def _down_body(be_ref, bv_ref, h_ref, wd_ref, y_ref):
    b = pl.program_id(0)

    @pl.when(bv_ref[b] == 1)
    def _():
        y_ref[...] = lax.dot_general(h_ref[...].astype(jnp.float32),
                                     wd_ref[0],
                                     (((1,), (1,)), ((), ())),
                                     preferred_element_type=jnp.float32)


def _expert_ffn(x_sorted, w_sorted, block_expert, block_valid,
                wg, wu, wd):
    gu_spec = pltpu.PrefetchScalarGridSpec(
        num_scalar_prefetch=2,
        grid=(IC, NB),
        in_specs=[
            pl.BlockSpec((B, H), lambda i, b, be, bv: (b, 0)),
            pl.BlockSpec((B, 1), lambda i, b, be, bv: (b, 0)),
            pl.BlockSpec((1, ICH, H), lambda i, b, be, bv: (be[b], i, 0)),
            pl.BlockSpec((1, ICH, H), lambda i, b, be, bv: (be[b], i, 0)),
        ],
        out_specs=pl.BlockSpec((B, ICH), lambda i, b, be, bv: (b, i)),
    )
    h = pl.pallas_call(
        _gateup_body,
        grid_spec=gu_spec,
        out_shape=jax.ShapeDtypeStruct((P, I), jnp.bfloat16),
        compiler_params=pltpu.CompilerParams(
            dimension_semantics=("arbitrary", "arbitrary")),
    )(block_expert, block_valid, x_sorted, w_sorted[:, None], wg, wu)

    dn_spec = pltpu.PrefetchScalarGridSpec(
        num_scalar_prefetch=2,
        grid=(NB,),
        in_specs=[
            pl.BlockSpec((B, I), lambda b, be, bv: (b, 0)),
            pl.BlockSpec((1, H, I), lambda b, be, bv: (be[b], 0, 0)),
        ],
        out_specs=pl.BlockSpec((B, H), lambda b, be, bv: (b, 0)),
    )
    return pl.pallas_call(
        _down_body,
        grid_spec=dn_spec,
        out_shape=jax.ShapeDtypeStruct((P, H), jnp.float32),
        compiler_params=pltpu.CompilerParams(
            dimension_semantics=("arbitrary",)),
    )(block_expert, block_valid, h, wd)


NC = 2
NS = 16
NW = NC * NS


def _sc_mesh():
    return plsc.VectorSubcoreMesh(core_axis_name="c", subcore_axis_name="s")


def _sc_dispatch(hidden_states, gather_tok):
    rows_per_w = P // NW
    ch = 32

    @functools.partial(
        pl.kernel, mesh=_sc_mesh(),
        out_type=jax.ShapeDtypeStruct((P, H), jnp.float32),
        scratch_types=[pltpu.VMEM((ch,), jnp.int32),
                       pltpu.VMEM((ch, H), jnp.float32),
                       pltpu.SemaphoreType.DMA],
    )
    def k(hid_hbm, idx_hbm, out_hbm, idx_v, rows_v, sem):
        wid = lax.axis_index("s") * NC + lax.axis_index("c")
        base = wid * rows_per_w

        @pl.loop(0, rows_per_w, step=ch)
        def _(c):
            pltpu.sync_copy(idx_hbm.at[pl.ds(base + c, ch)], idx_v)
            pltpu.async_copy(hid_hbm.at[idx_v], rows_v, sem).wait()
            pltpu.sync_copy(rows_v, out_hbm.at[pl.ds(base + c, ch)])

    return k(hidden_states, gather_tok)


def _sc_combine(ys, dest0, dest1):
    tok_per_w = T // NW
    ch = 32

    @functools.partial(
        pl.kernel, mesh=_sc_mesh(),
        out_type=jax.ShapeDtypeStruct((T, H), jnp.float32),
        scratch_types=[pltpu.VMEM((ch,), jnp.int32),
                       pltpu.VMEM((ch,), jnp.int32),
                       pltpu.VMEM((ch, H), jnp.float32),
                       pltpu.VMEM((ch, H), jnp.float32),
                       pltpu.SemaphoreType.DMA,
                       pltpu.SemaphoreType.DMA],
    )
    def k(ys_hbm, d0_hbm, d1_hbm, out_hbm, idx0_v, idx1_v, buf0, buf1,
          sem0, sem1):
        wid = lax.axis_index("s") * NC + lax.axis_index("c")
        base = wid * tok_per_w

        @pl.loop(0, tok_per_w, step=ch)
        def _(c):
            pltpu.sync_copy(d0_hbm.at[pl.ds(base + c, ch)], idx0_v)
            cp0 = pltpu.async_copy(ys_hbm.at[idx0_v], buf0, sem0)
            pltpu.sync_copy(d1_hbm.at[pl.ds(base + c, ch)], idx1_v)
            cp1 = pltpu.async_copy(ys_hbm.at[idx1_v], buf1, sem1)
            cp0.wait()
            cp1.wait()

            @pl.loop(0, ch)
            def _(r):
                for col in range(0, H, 16):
                    buf0[r, pl.ds(col, 16)] += buf1[r, pl.ds(col, 16)]

            pltpu.sync_copy(buf0, out_hbm.at[pl.ds(base + c, ch)])

    return k(ys, dest0, dest1)


def kernel(hidden_states, router_logits, W_gate, W_up, W_down):
    dest, gather_tok, w_sorted, block_expert, block_valid = (
        _routing_metadata(router_logits))
    x_sorted = _sc_dispatch(hidden_states, gather_tok)
    ys = _expert_ffn(x_sorted, w_sorted, block_expert, block_valid,
                     W_gate, W_up, W_down)
    return _sc_combine(ys, dest[:, 0], dest[:, 1])

# --- scband reference (transcript-rebuilt; emitter-appended) ---
"""Pipeline reference for scband-hybrid-mo-e-120259085108 (READ-ONLY COPY).

The authoritative reference and input builder live on the scoring server;
editing this copy changes nothing except your own understanding.
"""

import jax, jax.numpy as jnp
import numpy as np

NUM_EXPERTS = 8
TOP_K = 2
HIDDEN = 1024
INTER = 2816
TOKENS = 2048


def setup_inputs(seed: int = 0) -> dict:
    key = jax.random.key(seed)
    ks = jax.random.split(key, 5)
    hidden_states = jax.random.normal(ks[0], (TOKENS, HIDDEN), dtype=jnp.float32)
    router_logits = jax.random.normal(ks[1], (TOKENS, NUM_EXPERTS), dtype=jnp.float32)
    # expert FFN parameters (gate/up/down projections, silu-gated MLP)
    W_gate = jax.random.normal(ks[2], (NUM_EXPERTS, INTER, HIDDEN), dtype=jnp.float32) * 0.02
    W_up = jax.random.normal(ks[3], (NUM_EXPERTS, INTER, HIDDEN), dtype=jnp.float32) * 0.02
    W_down = jax.random.normal(ks[4], (NUM_EXPERTS, HIDDEN, INTER), dtype=jnp.float32) * 0.02
    return {"hidden_states": hidden_states, "router_logits": router_logits,
            "W_gate": W_gate, "W_up": W_up, "W_down": W_down}


def reference(hidden_states, router_logits, W_gate, W_up, W_down):
    # Routing: router_use_softmax=False -> top-k over raw logits,
    # normalize_topk_prob=True -> softmax over the selected top-k logits.
    topk_vals, topk_idx = jax.lax.top_k(router_logits, TOP_K)
    topk_w = jax.nn.softmax(topk_vals, axis=-1)
    T = hidden_states.shape[0]
    # scatter top-k weights into a dense [T, E] combine matrix
    combine = jnp.zeros((T, NUM_EXPERTS), dtype=hidden_states.dtype)
    combine = combine.at[jnp.arange(T)[:, None], topk_idx].add(topk_w)

    def expert_out(Wg, Wu, Wd):
        g = hidden_states @ Wg.T          # [T, INTER]
        u = hidden_states @ Wu.T          # [T, INTER]
        h = jax.nn.silu(g) * u            # silu-gated
        return h @ Wd.T                   # [T, HIDDEN]

    expert_outs = jax.vmap(expert_out)(W_gate, W_up, W_down)  # [E, T, H]
    y = jnp.einsum('te,eth->th', combine, expert_outs)         # weighted combine
    return y

if __name__ == "__main__":
    import jax
    _d = setup_inputs()
    print(jax.jit(kernel)(*tuple(_d.values())))

</pallas_src>

<mosaic_0001>
#map = affine_map<(d0, d1) -> (0, 0)>
#map1 = affine_map<(d0, d1) -> (0)>
module attributes {stable_mosaic.version = 14 : i64} {
  func.func @k(%arg0: i32, %arg1: i32, %arg2: memref<6144x1024xf32, #tpu.memory_space<hbm>>, %arg3: memref<2048xi32, #tpu.memory_space<hbm>>, %arg4: memref<2048xi32, #tpu.memory_space<hbm>>, %arg5: memref<2048x1024xf32, #tpu.memory_space<hbm>>, %arg6: memref<32xi32, #tpu.memory_space<vmem>>, %arg7: memref<32xi32, #tpu.memory_space<vmem>>, %arg8: memref<32x1024xf32, #tpu.memory_space<vmem>>, %arg9: memref<32x1024xf32, #tpu.memory_space<vmem>>, %arg10: memref<!tpu.dma_semaphore, #tpu.memory_space<semaphore_mem>>, %arg11: memref<!tpu.dma_semaphore, #tpu.memory_space<semaphore_mem>>) attributes {dimension_semantics = [#tpu.dimension_semantics<core_parallel>, #tpu.dimension_semantics<subcore_parallel>], iteration_bounds = array<i64: 2, 16>, scalar_prefetch = 0 : i64, scratch_operands = 6 : i64, tpu.core_type = #tpu.core_type<sc_vector_subcore>, window_params = [{transform_indices = #map}, {transform_indices = #map1}, {transform_indices = #map1}, {transform_indices = #map}]} {
    %mul3A = arith.constant 2 : i32
    %mul3A_0 = arith.muli %arg1, %mul3A : i32
    %add3A = arith.addi %mul3A_0, %arg0 : i32
    %mul3A_1 = arith.constant 64 : i32
    %mul3A_2 = arith.muli %add3A, %mul3A_1 : i32
    %scan3A = arith.constant 0 : i32
    %scan3A_3 = arith.constant 2 : i32
    %scan3A_4 = arith.addi %scan3A, %scan3A_3 : i32
    %scan3A_5 = arith.constant 1 : i32
    scf.for %scan3A_7 = %scan3A to %scan3A_4 step %scan3A_5  : i32 {
      %mul3A_8 = arith.constant 32 : i32
      %mul3A_9 = arith.muli %scan3A_7, %mul3A_8 : i32
      %add3A_10 = arith.constant 0 : i32
      %add3A_11 = arith.addi %add3A_10, %mul3A_9 : i32
      %add3A_12 = arith.addi %mul3A_2, %add3A_11 : i32
      "tpu.region"() ({
        %run_scoped3A = tpu.sem_alloc : memref<!tpu.dma_semaphore, #tpu.memory_space<semaphore_mem>>
        %dma_start3A_30 = tpu.memref_slice %arg3[%add3A_12] : memref<2048xi32, #tpu.memory_space<hbm>> -> memref<32xi32, #tpu.memory_space<hbm>>
        %dma_start3A_31 = tpu.memref_slice %arg3[%add3A_12] : memref<2048xi32, #tpu.memory_space<hbm>> -> memref<32xi32, #tpu.memory_space<hbm>>
        tpu.enqueue_dma source(%dma_start3A_31 : memref<32xi32, #tpu.memory_space<hbm>>) target(%arg6 : memref<32xi32, #tpu.memory_space<vmem>>) target_semaphore(%run_scoped3A : memref<!tpu.dma_semaphore, #tpu.memory_space<semaphore_mem>>)
        %dma_wait3A_32 = tpu.memref_slice %arg3[%add3A_12] : memref<2048xi32, #tpu.memory_space<hbm>> -> memref<32xi32, #tpu.memory_space<hbm>>
        %dma_wait3A_33 = tpu.memref_slice %arg3[%add3A_12] : memref<2048xi32, #tpu.memory_space<hbm>> -> memref<32xi32, #tpu.memory_space<hbm>>
        tpu.wait_dma2 semaphore(%run_scoped3A : memref<!tpu.dma_semaphore, #tpu.memory_space<semaphore_mem>>) src(%dma_wait3A_33 : memref<32xi32, #tpu.memory_space<hbm>>) dst(%arg6 : memref<32xi32, #tpu.memory_space<vmem>>)
        tpu.yield
      }) : () -> ()
      %dma_start3A = arith.constant 0 : i32
      %dma_start3A_13 = arith.constant 0 : i32
      %dma_start3A_14 = tpu.memref_slice %arg2[%dma_start3A, %dma_start3A_13] : memref<6144x1024xf32, #tpu.memory_space<hbm>> -> memref<6144x1024xf32, #tpu.memory_space<hbm>>
      tpu.enqueue_indirect_dma source(%dma_start3A_14 : memref<6144x1024xf32, #tpu.memory_space<hbm>>) target(%arg8 : memref<32x1024xf32, #tpu.memory_space<vmem>>) offsets(%arg6 : memref<32xi32, #tpu.memory_space<vmem>>) semaphore(%arg10 : memref<!tpu.dma_semaphore, #tpu.memory_space<semaphore_mem>>)
      %add3A_15 = arith.addi %mul3A_2, %add3A_11 : i32
      "tpu.region"() ({
        %run_scoped3A = tpu.sem_alloc : memref<!tpu.dma_semaphore, #tpu.memory_space<semaphore_mem>>
        %dma_start3A_30 = tpu.memref_slice %arg4[%add3A_15] : memref<2048xi32, #tpu.memory_space<hbm>> -> memref<32xi32, #tpu.memory_space<hbm>>
        %dma_start3A_31 = tpu.memref_slice %arg4[%add3A_15] : memref<2048xi32, #tpu.memory_space<hbm>> -> memref<32xi32, #tpu.memory_space<hbm>>
        tpu.enqueue_dma source(%dma_start3A_31 : memref<32xi32, #tpu.memory_space<hbm>>) target(%arg7 : memref<32xi32, #tpu.memory_space<vmem>>) target_semaphore(%run_scoped3A : memref<!tpu.dma_semaphore, #tpu.memory_space<semaphore_mem>>)
        %dma_wait3A_32 = tpu.memref_slice %arg4[%add3A_15] : memref<2048xi32, #tpu.memory_space<hbm>> -> memref<32xi32, #tpu.memory_space<hbm>>
        %dma_wait3A_33 = tpu.memref_slice %arg4[%add3A_15] : memref<2048xi32, #tpu.memory_space<hbm>> -> memref<32xi32, #tpu.memory_space<hbm>>
        tpu.wait_dma2 semaphore(%run_scoped3A : memref<!tpu.dma_semaphore, #tpu.memory_space<semaphore_mem>>) src(%dma_wait3A_33 : memref<32xi32, #tpu.memory_space<hbm>>) dst(%arg7 : memref<32xi32, #tpu.memory_space<vmem>>)
        tpu.yield
      }) : () -> ()
      %dma_start3A_16 = arith.constant 0 : i32
      %dma_start3A_17 = arith.constant 0 : i32
      %dma_start3A_18 = tpu.memref_slice %arg2[%dma_start3A_16, %dma_start3A_17] : memref<6144x1024xf32, #tpu.memory_space<hbm>> -> memref<6144x1024xf32, #tpu.memory_space<hbm>>
      tpu.enqueue_indirect_dma source(%dma_start3A_18 : memref<6144x1024xf32, #tpu.memory_space<hbm>>) target(%arg9 : memref<32x1024xf32, #tpu.memory_space<vmem>>) offsets(%arg7 : memref<32xi32, #tpu.memory_space<vmem>>) semaphore(%arg11 : memref<!tpu.dma_semaphore, #tpu.memory_space<semaphore_mem>>)
      %dma_wait3A = arith.constant 0 : i32
      %dma_wait3A_19 = arith.constant 0 : i32
      %dma_wait3A_20 = tpu.memref_slice %arg2[%dma_wait3A, %dma_wait3A_19] : memref<6144x1024xf32, #tpu.memory_space<hbm>> -> memref<6144x1024xf32, #tpu.memory_space<hbm>>
      tpu.wait_indirect_dma semaphore(%arg10 : memref<!tpu.dma_semaphore, #tpu.memory_space<semaphore_mem>>) src(%dma_wait3A_20 : memref<6144x1024xf32, #tpu.memory_space<hbm>>) dst(%arg8 : memref<32x1024xf32, #tpu.memory_space<vmem>>)
      %dma_wait3A_21 = arith.constant 0 : i32
      %dma_wait3A_22 = arith.constant 0 : i32
      %dma_wait3A_23 = tpu.memref_slice %arg2[%dma_wait3A_21, %dma_wait3A_22] : memref<6144x1024xf32, #tpu.memory_space<hbm>> -> memref<6144x1024xf32, #tpu.memory_space<hbm>>
      tpu.wait_indirect_dma semaphore(%arg11 : memref<!tpu.dma_semaphore, #tpu.memory_space<semaphore_mem>>) src(%dma_wait3A_23 : memref<6144x1024xf32, #tpu.memory_space<hbm>>) dst(%arg9 : memref<32x1024xf32, #tpu.memory_space<vmem>>)
      %scan3A_24 = arith.constant 0 : i32
      %scan3A_25 = arith.constant 32 : i32
      %scan3A_26 = arith.addi %scan3A_24, %scan3A_25 : i32
      %scan3A_27 = arith.constant 1 : i32
      scf.for %scan3A_30 = %scan3A_24 to %scan3A_26 step %scan3A_27  : i32 {
        %mul3A_31 = arith.constant 1 : i32
        %mul3A_32 = arith.muli %scan3A_30, %mul3A_31 : i32
        %add3A_33 = arith.constant 0 : i32
        %add3A_34 = arith.addi %add3A_33, %mul3A_32 : i32
        %get3A = arith.index_cast %add3A_34 : i32 to index
        %get3A_35 = arith.constant 0 : index
        %get3A_36 = tpu.vector_load %arg8[%get3A, %get3A_35] {strides = array<i32>} : memref<32x1024xf32, #tpu.memory_space<vmem>>, vector<1x16xf32>,
        %get3A_37 = vector.shape_cast %get3A_36 : vector<1x16xf32> to vector<16xf32>
        %get3A_38 = arith.index_cast %add3A_34 : i32 to index
        %get3A_39 = arith.constant 0 : index
        %get3A_40 = tpu.vector_load %arg9[%get3A_38, %get3A_39] {strides = array<i32>} : memref<32x1024xf32, #tpu.memory_space<vmem>>, vector<1x16xf32>,
        %get3A_41 = vector.shape_cast %get3A_40 : vector<1x16xf32> to vector<16xf32>
        %add3A_42 = arith.addf %get3A_37, %get3A_41 : vector<16xf32>
        %swap3A = arith.index_cast %add3A_34 : i32 to index
        %swap3A_43 = arith.constant 0 : index
        %swap3A_44 = tpu.vector_load %arg8[%swap3A, %swap3A_43] {strides = array<i32>} : memref<32x1024xf32, #tpu.memory_space<vmem>>, vector<1x16xf32>,
        %swap3A_45 = vector.shape_cast %swap3A_44 : vector<1x16xf32> to vector<16xf32>
        %swap3A_46 = vector.shape_cast %add3A_42 : vector<16xf32> to vector<1x16xf32>
        tpu.vector_store %arg8[%swap3A, %swap3A_43], %swap3A_46 {strides = array<i32>} : memref<32x1024xf32, #tpu.memory_space<vmem>>, vector<1x16xf32>,
        %get3A_47 = arith.index_cast %add3A_34 : i32 to index
        %get3A_48 = arith.constant 16 : index
        %get3A_49 = tpu.vector_load %arg8[%get3A_47, %get3A_48] {strides = array<i32>} : memref<32x1024xf32, #tpu.memory_space<vmem>>, vector<1x16xf32>,
        %get3A_50 = vector.shape_cast %get3A_49 : vector<1x16xf32> to vector<16xf32>
        %get3A_51 = arith.index_cast %add3A_34 : i32 to index
        %get3A_52 = arith.constant 16 : index
        %get3A_53 = tpu.vector_load %arg9[%get3A_51, %get3A_52] {strides = array<i32>} : memref<32x1024xf32, #tpu.memory_space<vmem>>, vector<1x16xf32>,
        %get3A_54 = vector.shape_cast %get3A_53 : vector<1x16xf32> to vector<16xf32>
        %add3A_55 = arith.addf %get3A_50, %get3A_54 : vector<16xf32>
        %swap3A_56 = arith.index_cast %add3A_34 : i32 to index
        %swap3A_57 = arith.constant 16 : index
        %swap3A_58 = tpu.vector_load %arg8[%swap3A_56, %swap3A_57] {strides = array<i32>} : memref<32x1024xf32, #tpu.memory_space<vmem>>, vector<1x16xf32>,
        %swap3A_59 = vector.shape_cast %swap3A_58 : vector<1x16xf32> to vector<16xf32>
        %swap3A_60 = vector.shape_cast %add3A_55 : vector<16xf32> to vector<1x16xf32>
        tpu.vector_store %arg8[%swap3A_56, %swap3A_57], %swap3A_60 {strides = array<i32>} : memref<32x1024xf32, #tpu.memory_space<vmem>>, vector<1x16xf32>,
        %get3A_61 = arith.index_cast %add3A_34 : i32 to index
        %get3A_62 = arith.constant 32 : index
        %get3A_63 = tpu.vector_load %arg8[%get3A_61, %get3A_62] {strides = array<i32>} : memref<32x1024xf32, #tpu.memory_space<vmem>>, vector<1x16xf32>,
        %get3A_64 = vector.shape_cast %get3A_63 : vector<1x16xf32> to vector<16xf32>
        %get3A_65 = arith.index_cast %add3A_34 : i32 to index
        %get3A_66 = arith.constant 32 : index
        %get3A_67 = tpu.vector_load %arg9[%get3A_65, %get3A_66] {strides = array<i32>} : memref<32x1024xf32, #tpu.memory_space<vmem>>, vector<1x16xf32>,
        %get3A_68 = vector.shape_cast %get3A_67 : vector<1x16xf32> to vector<16xf32>
        %add3A_69 = arith.addf %get3A_64, %get3A_68 : vector<16xf32>
        %swap3A_70 = arith.index_cast %add3A_34 : i32 to index
        %swap3A_71 = arith.constant 32 : index
        %swap3A_72 = tpu.vector_load %arg8[%swap3A_70, %swap3A_71] {strides = array<i32>} : memref<32x1024xf32, #tpu.memory_space<vmem>>, vector<1x16xf32>,
        %swap3A_73 = vector.shape_cast %swap3A_72 : vector<1x16xf32> to vector<16xf32>
        %swap3A_74 = vector.shape_cast %add3A_69 : vector<16xf32> to vector<1x16xf32>
        tpu.vector_store %arg8[%swap3A_70, %swap3A_71], %swap3A_74 {strides = array<i32>} : memref<32x1024xf32, #tpu.memory_space<vmem>>, vector<1x16xf32>,
        %get3A_75 = arith.index_cast %add3A_34 : i32 to index
        %get3A_76 = arith.constant 48 : index
        %get3A_77 = tpu.vector_load %arg8[%get3A_75, %get3A_76] {strides = array<i32>} : memref<32x1024xf32, #tpu.memory_space<vmem>>, vector<1x16xf32>,
        %get3A_78 = vector.shape_cast %get3A_77 : vector<1x16xf32> to vector<16xf32>
        %get3A_79 = arith.index_cast %add3A_34 : i32 to index
        %get3A_80 = arith.constant 48 : index
        %get3A_81 = tpu.vector_load %arg9[%get3A_79, %get3A_80] {strides = array<i32>} : memref<32x1024xf32, #tpu.memory_space<vmem>>, vector<1x16xf32>,
        %get3A_82 = vector.shape_cast %get3A_81 : vector<1x16xf32> to vector<16xf32>
        %add3A_83 = arith.addf %get3A_78, %get3A_82 : vector<16xf32>
        %swap3A_84 = arith.index_cast %add3A_34 : i32 to index
        %swap3A_85 = arith.constant 48 : index
        %swap3A_86 = tpu.vector_load %arg8[%swap3A_84, %swap3A_85] {strides = array<i32>} : memref<32x1024xf32, #tpu.memory_space<vmem>>, vector<1x16xf32>,
        %swap3A_87 = vector.shape_cast %swap3A_86 : vector<1x16xf32> to vector<16xf32>
        %swap3A_88 = vector.shape_cast %add3A_83 : vector<16xf32> to vector<1x16xf32>
        tpu.vector_store %arg8[%swap3A_84, %swap3A_85], %swap3A_88 {strides = array<i32>} : memref<32x1024xf32, #tpu.memory_space<vmem>>, vector<1x16xf32>,
        %get3A_89 = arith.index_cast %add3A_34 : i32 to index
        %get3A_90 = arith.constant 64 : index
        %get3A_91 = tpu.vector_load %arg8[%get3A_89, %get3A_90] {strides = array<i32>} : memref<32x1024xf32, #tpu.memory_space<vmem>>, vector<1x16xf32>,
        %get3A_92 = vector.shape_cast %get3A_91 : vector<1x16xf32> to vector<16xf32>
        %get3A_93 = arith.index_cast %add3A_34 : i32 to index
        %get3A_94 = arith.constant 64 : index
        %get3A_95 = tpu.vector_load %arg9[%get3A_93, %get3A_94] {strides = array<i32>} : memref<32x1024xf32, #tpu.memory_space<vmem>>, vector<1x16xf32>,
        %get3A_96 = vector.shape_cast %get3A_95 : vector<1x16xf32> to vector<16xf32>
        %add3A_97 = arith.addf %get3A_92, %get3A_96 : vector<16xf32>
        %swap3A_98 = arith.index_cast %add3A_34 : i32 to index
        %swap3A_99 = arith.constant 64 : index
        %swap3A_100 = tpu.vector_load %arg8[%swap3A_98, %swap3A_99] {strides = array<i32>} : memref<32x1024xf32, #tpu.memory_space<vmem>>, vector<1x16xf32>,
        %swap3A_101 = vector.shape_cast %swap3A_100 : vector<1x16xf32> to vector<16xf32>
        %swap3A_102 = vector.shape_cast %add3A_97 : vector<16xf32> to vector<1x16xf32>
        tpu.vector_store %arg8[%swap3A_98, %swap3A_99], %swap3A_102 {strides = array<i32>} : memref<32x1024xf32, #tpu.memory_space<vmem>>, vector<1x16xf32>,
        %get3A_103 = arith.index_cast %add3A_34 : i32 to index
        %get3A_104 = arith.constant 80 : index
        %get3A_105 = tpu.vector_load %arg8[%get3A_103, %get3A_104] {strides = array<i32>} : memref<32x1024xf32, #tpu.memory_space<vmem>>, vector<1x16xf32>,
        %get3A_106 = vector.shape_cast %get3A_105 : vector<1x16xf32> to vector<16xf32>
        %get3A_107 = arith.index_cast %add3A_34 : i32 to index
        %get3A_108 = arith.constant 80 : index
        %get3A_109 = tpu.vector_load %arg9[%get3A_107, %get3A_108] {strides = array<i32>} : memref<32x1024xf32, #tpu.memory_space<vmem>>, vector<1x16xf32>,
        %get3A_110 = vector.shape_cast %get3A_109 : vector<1x16xf32> to vector<16xf32>
        %add3A_111 = arith.addf %get3A_106, %get3A_110 : vector<16xf32>
        %swap3A_112 = arith.index_cast %add3A_34 : i32 to index
        %swap3A_113 = arith.constant 80 : index
        %swap3A_114 = tpu.vector_load %arg8[%swap3A_112, %swap3A_113] {strides = array<i32>} : memref<32x1024xf32, #tpu.memory_space<vmem>>, vector<1x16xf32>,
        %swap3A_115 = vector.shape_cast %swap3A_114 : vector<1x16xf32> to vector<16xf32>
        %swap3A_116 = vector.shape_cast %add3A_111 : vector<16xf32> to vector<1x16xf32>
        tpu.vector_store %arg8[%swap3A_112, %swap3A_113], %swap3A_116 {strides = array<i32>} : memref<32x1024xf32, #tpu.memory_space<vmem>>, vector<1x16xf32>,
        %get3A_117 = arith.index_cast %add3A_34 : i32 to index
        %get3A_118 = arith.constant 96 : index
        %get3A_119 = tpu.vector_load %arg8[%get3A_117, %get3A_118] {strides = array<i32>} : memref<32x1024xf32, #tpu.memory_space<vmem>>, vector<1x16xf32>,
        %get3A_120 = vector.shape_cast %get3A_119 : vector<1x16xf32> to vector<16xf32>
        %get3A_121 = arith.index_cast %add3A_34 : i32 to index
        %get3A_122 = arith.constant 96 : index
        %get3A_123 = tpu.vector_load %arg9[%get3A_121, %get3A_122] {strides = array<i32>} : memref<32x1024xf32, #tpu.memory_space<vmem>>, vector<1x16xf32>,
        %get3A_124 = vector.shape_cast %get3A_123 : vector<1x16xf32> to vector<16xf32>
        %add3A_125 = arith.addf %get3A_120, %get3A_124 : vector<16xf32>
        %swap3A_126 = arith.index_cast %add3A_34 : i32 to index
        %swap3A_127 = arith.constant 96 : index
        %swap3A_128 = tpu.vector_load %arg8[%swap3A_126, %swap3A_127] {strides = array<i32>} : memref<32x1024xf32, #tpu.memory_space<vmem>>, vector<1x16xf32>,
        %swap3A_129 = vector.shape_cast %swap3A_128 : vector<1x16xf32> to vector<16xf32>
        %swap3A_130 = vector.shape_cast %add3A_125 : vector<16xf32> to vector<1x16xf32>
        tpu.vector_store %arg8[%swap3A_126, %swap3A_127], %swap3A_130 {strides = array<i32>} : memref<32x1024xf32, #tpu.memory_space<vmem>>, vector<1x16xf32>,
        %get3A_131 = arith.index_cast %add3A_34 : i32 to index
        %get3A_132 = arith.constant 112 : index
        %get3A_133 = tpu.vector_load %arg8[%get3A_131, %get3A_132] {strides = array<i32>} : memref<32x1024xf32, #tpu.memory_space<vmem>>, vector<1x16xf32>,
        %get3A_134 = vector.shape_cast %get3A_133 : vector<1x16xf32> to vector<16xf32>
        %get3A_135 = arith.index_cast %add3A_34 : i32 to index
        %get3A_136 = arith.constant 112 : index
        %get3A_137 = tpu.vector_load %arg9[%get3A_135, %get3A_136] {strides = array<i32>} : memref<32x1024xf32, #tpu.memory_space<vmem>>, vector<1x16xf32>,
        %get3A_138 = vector.shape_cast %get3A_137 : vector<1x16xf32> to vector<16xf32>
        %add3A_139 = arith.addf %get3A_134, %get3A_138 : vector<16xf32>
        %swap3A_140 = arith.index_cast %add3A_34 : i32 to index
        %swap3A_141 = arith.constant 112 : index
        %swap3A_142 = tpu.vector_load %arg8[%swap3A_140, %swap3A_141] {strides = array<i32>} : memref<32x1024xf32, #tpu.memory_space<vmem>>, vector<1x16xf32>,
        %swap3A_143 = vector.shape_cast %swap3A_142 : vector<1x16xf32> to vector<16xf32>
        %swap3A_144 = vector.shape_cast %add3A_139 : vector<16xf32> to vector<1x16xf32>
        tpu.vector_store %arg8[%swap3A_140, %swap3A_141], %swap3A_144 {strides = array<i32>} : memref<32x1024xf32, #tpu.memory_space<vmem>>, vector<1x16xf32>,
        %get3A_145 = arith.index_cast %add3A_34 : i32 to index
        %get3A_146 = arith.constant 128 : index
        %get3A_147 = tpu.vector_load %arg8[%get3A_145, %get3A_146] {strides = array<i32>} : memref<32x1024xf32, #tpu.memory_space<vmem>>, vector<1x16xf32>,
        %get3A_148 = vector.shape_cast %get3A_147 : vector<1x16xf32> to vector<16xf32>
        %get3A_149 = arith.index_cast %add3A_34 : i32 to index
        %get3A_150 = arith.constant 128 : index
        %get3A_151 = tpu.vector_load %arg9[%get3A_149, %get3A_150] {strides = array<i32>} : memref<32x1024xf32, #tpu.memory_space<vmem>>, vector<1x16xf32>,
        %get3A_152 = vector.shape_cast %get3A_151 : vector<1x16xf32> to vector<16xf32>
        %add3A_153 = arith.addf %get3A_148, %get3A_152 : vector<16xf32>
        %swap3A_154 = arith.index_cast %add3A_34 : i32 to index
        %swap3A_155 = arith.constant 128 : index
        %swap3A_156 = tpu.vector_load %arg8[%swap3A_154, %swap3A_155] {strides = array<i32>} : memref<32x1024xf32, #tpu.memory_space<vmem>>, vector<1x16xf32>,
        %swap3A_157 = vector.shape_cast %swap3A_156 : vector<1x16xf32> to vector<16xf32>
        %swap3A_158 = vector.shape_cast %add3A_153 : vector<16xf32> to vector<1x16xf32>
        tpu.vector_store %arg8[%swap3A_154, %swap3A_155], %swap3A_158 {strides = array<i32>} : memref<32x1024xf32, #tpu.memory_space<vmem>>, vector<1x16xf32>,
        %get3A_159 = arith.index_cast %add3A_34 : i32 to index
        %get3A_160 = arith.constant 144 : index
        %get3A_161 = tpu.vector_load %arg8[%get3A_159, %get3A_160] {strides = array<i32>} : memref<32x1024xf32, #tpu.memory_space<vmem>>, vector<1x16xf32>,
        %get3A_162 = vector.shape_cast %get3A_161 : vector<1x16xf32> to vector<16xf32>
        %get3A_163 = arith.index_cast %add3A_34 : i32 to index
        %get3A_164 = arith.constant 144 : index
        %get3A_165 = tpu.vector_load %arg9[%get3A_163, %get3A_164] {strides = array<i32>} : memref<32x1024xf32, #tpu.memory_space<vmem>>, vector<1x16xf32>,
        %get3A_166 = vector.shape_cast %get3A_165 : vector<1x16xf32> to vector<16xf32>
        %add3A_167 = arith.addf %get3A_162, %get3A_166 : vector<16xf32>
        %swap3A_168 = arith.index_cast %add3A_34 : i32 to index
        %swap3A_169 = arith.constant 144 : index
        %swap3A_170 = tpu.vector_load %arg8[%swap3A_168, %swap3A_169] {strides = array<i32>} : memref<32x1024xf32, #tpu.memory_space<vmem>>, vector<1x16xf32>,
        %swap3A_171 = vector.shape_cast %swap3A_170 : vector<1x16xf32> to vector<16xf32>
        %swap3A_172 = vector.shape_cast %add3A_167 : vector<16xf32> to vector<1x16xf32>
        tpu.vector_store %arg8[%swap3A_168, %swap3A_169], %swap3A_172 {strides = array<i32>} : memref<32x1024xf32, #tpu.memory_space<vmem>>, vector<1x16xf32>,
        %get3A_173 = arith.index_cast %add3A_34 : i32 to index
        %get3A_174 = arith.constant 160 : index
        %get3A_175 = tpu.vector_load %arg8[%get3A_173, %get3A_174] {strides = array<i32>} : memref<32x1024xf32, #tpu.memory_space<vmem>>, vector<1x16xf32>,
        %get3A_176 = vector.shape_cast %get3A_175 : vector<1x16xf32> to vector<16xf32>
        %get3A_177 = arith.index_cast %add3A_34 : i32 to index
        %get3A_178 = arith.constant 160 : index
        %get3A_179 = tpu.vector_load %arg9[%get3A_177, %get3A_178] {strides = array<i32>} : memref<32x1024xf32, #tpu.memory_space<vmem>>, vector<1x16xf32>,
        %get3A_180 = vector.shape_cast %get3A_179 : vector<1x16xf32> to vector<16xf32>
        %add3A_181 = arith.addf %get3A_176, %get3A_180 : vector<16xf32>
        %swap3A_182 = arith.index_cast %add3A_34 : i32 to index
        %swap3A_183 = arith.constant 160 : index
        %swap3A_184 = tpu.vector_load %arg8[%swap3A_182, %swap3A_183] {strides = array<i32>} : memref<32x1024xf32, #tpu.memory_space<vmem>>, vector<1x16xf32>,
        %swap3A_185 = vector.shape_cast %swap3A_184 : vector<1x16xf32> to vector<16xf32>
        %swap3A_186 = vector.shape_cast %add3A_181 : vector<16xf32> to vector<1x16xf32>
        tpu.vector_store %arg8[%swap3A_182, %swap3A_183], %swap3A_186 {strides = array<i32>} : memref<32x1024xf32, #tpu.memory_space<vmem>>, vector<1x16xf32>,
        %get3A_187 = arith.index_cast %add3A_34 : i32 to index
        %get3A_188 = arith.constant 176 : index
        %get3A_189 = tpu.vector_load %arg8[%get3A_187, %get3A_188] {strides = array<i32>} : memref<32x1024xf32, #tpu.memory_space<vmem>>, vector<1x16xf32>,
        %get3A_190 = vector.shape_cast %get3A_189 : vector<1x16xf32> to vector<16xf32>
        %get3A_191 = arith.index_cast %add3A_34 : i32 to index
        %get3A_192 = arith.constant 176 : index
        %get3A_193 = tpu.vector_load %arg9[%get3A_191, %get3A_192] {strides = array<i32>} : memref<32x1024xf32, #tpu.memory_space<vmem>>, vector<1x16xf32>,
        %get3A_194 = vector.shape_cast %get3A_193 : vector<1x16xf32> to vector<16xf32>
        %add3A_195 = arith.addf %get3A_190, %get3A_194 : vector<16xf32>
        %swap3A_196 = arith.index_cast %add3A_34 : i32 to index
        %swap3A_197 = arith.constant 176 : index
        %swap3A_198 = tpu.vector_load %arg8[%swap3A_196, %swap3A_197] {strides = array<i32>} : memref<32x1024xf32, #tpu.memory_space<vmem>>, vector<1x16xf32>,
        %swap3A_199 = vector.shape_cast %swap3A_198 : vector<1x16xf32> to vector<16xf32>
        %swap3A_200 = vector.shape_cast %add3A_195 : vector<16xf32> to vector<1x16xf32>
        tpu.vector_store %arg8[%swap3A_196, %swap3A_197], %swap3A_200 {strides = array<i32>} : memref<32x1024xf32, #tpu.memory_space<vmem>>, vector<1x16xf32>,
        %get3A_201 = arith.index_cast %add3A_34 : i32 to index
        %get3A_202 = arith.constant 192 : index
        %get3A_203 = tpu.vector_load %arg8[%get3A_201, %get3A_202] {strides = array<i32>} : memref<32x1024xf32, #tpu.memory_space<vmem>>, vector<1x16xf32>,
        %get3A_204 = vector.shape_cast %get3A_203 : vector<1x16xf32> to vector<16xf32>
        %get3A_205 = arith.index_cast %add3A_34 : i32 to index
        %get3A_206 = arith.constant 192 : index
        %get3A_207 = tpu.vector_load %arg9[%get3A_205, %get3A_206] {strides = array<i32>} : memref<32x1024xf32, #tpu.memory_space<vmem>>, vector<1x16xf32>,
        %get3A_208 = vector.shape_cast %get3A_207 : vector<1x16xf32> to vector<16xf32>
        %add3A_209 = arith.addf %get3A_204, %get3A_208 : vector<16xf32>
        %swap3A_210 = arith.index_cast %add3A_34 : i32 to index
        %swap3A_211 = arith.constant 192 : index
        %swap3A_212 = tpu.vector_load %arg8[%swap3A_210, %swap3A_211] {strides = array<i32>} : memref<32x1024xf32, #tpu.memory_space<vmem>>, vector<1x16xf32>,
        %swap3A_213 = vector.shape_cast %swap3A_212 : vector<1x16xf32> to vector<16xf32>
        %swap3A_214 = vector.shape_cast %add3A_209 : vector<16xf32> to vector<1x16xf32>
        tpu.vector_store %arg8[%swap3A_210, %swap3A_211], %swap3A_214 {strides = array<i32>} : memref<32x1024xf32, #tpu.memory_space<vmem>>, vector<1x16xf32>,
        %get3A_215 = arith.index_cast %add3A_34 : i32 to index
        %get3A_216 = arith.constant 208 : index
        %get3A_217 = tpu.vector_load %arg8[%get3A_215, %get3A_216] {strides = array<i32>} : memref<32x1024xf32, #tpu.memory_space<vmem>>, vector<1x16xf32>,
        %get3A_218 = vector.shape_cast %get3A_217 : vector<1x16xf32> to vector<16xf32>
        %get3A_219 = arith.index_cast %add3A_34 : i32 to index
        %get3A_220 = arith.constant 208 : index
        %get3A_221 = tpu.vector_load %arg9[%get3A_219, %get3A_220] {strides = array<i32>} : memref<32x1024xf32, #tpu.memory_space<vmem>>, vector<1x16xf32>,
        %get3A_222 = vector.shape_cast %get3A_221 : vector<1x16xf32> to vector<16xf32>
        %add3A_223 = arith.addf %get3A_218, %get3A_222 : vector<16xf32>
        %swap3A_224 = arith.index_cast %add3A_34 : i32 to index
        %swap3A_225 = arith.constant 208 : index
        %swap3A_226 = tpu.vector_load %arg8[%swap3A_224, %swap3A_225] {strides = array<i32>} : memref<32x1024xf32, #tpu.memory_space<vmem>>, vector<1x16xf32>,
        %swap3A_227 = vector.shape_cast %swap3A_226 : vector<1x16xf32> to vector<16xf32>
        %swap3A_228 = vector.shape_cast %add3A_223 : vector<16xf32> to vector<1x16xf32>
        tpu.vector_store %arg8[%swap3A_224, %swap3A_225], %swap3A_228 {strides = array<i32>} : memref<32x1024xf32, #tpu.memory_space<vmem>>, vector<1x16xf32>,
        %get3A_229 = arith.index_cast %add3A_34 : i32 to index
        %get3A_230 = arith.constant 224 : index
        %get3A_231 = tpu.vector_load %arg8[%get3A_229, %get3A_230] {strides = array<i32>} : memref<32x1024xf32, #tpu.memory_space<vmem>>, vector<1x16xf32>,
        %get3A_232 = vector.shape_cast %get3A_231 : vector<1x16xf32> to vector<16xf32>
        %get3A_233 = arith.index_cast %add3A_34 : i32 to index
        %get3A_234 = arith.constant 224 : index
        %get3A_235 = tpu.vector_load %arg9[%get3A_233, %get3A_234] {strides = array<i32>} : memref<32x1024xf32, #tpu.memory_space<vmem>>, vector<1x16xf32>,
        %get3A_236 = vector.shape_cast %get3A_235 : vector<1x16xf32> to vector<16xf32>
        %add3A_237 = arith.addf %get3A_232, %get3A_236 : vector<16xf32>
        %swap3A_238 = arith.index_cast %add3A_34 : i32 to index
        %swap3A_239 = arith.constant 224 : index
        %swap3A_240 = tpu.vector_load %arg8[%swap3A_238, %swap3A_239] {strides = array<i32>} : memref<32x1024xf32, #tpu.memory_space<vmem>>, vector<1x16xf32>,
        %swap3A_241 = vector.shape_cast %swap3A_240 : vector<1x16xf32> to vector<16xf32>
        %swap3A_242 = vector.shape_cast %add3A_237 : vector<16xf32> to vector<1x16xf32>
        tpu.vector_store %arg8[%swap3A_238, %swap3A_239], %swap3A_242 {strides = array<i32>} : memref<32x1024xf32, #tpu.memory_space<vmem>>, vector<1x16xf32>,
        %get3A_243 = arith.index_cast %add3A_34 : i32 to index
        %get3A_244 = arith.constant 240 : index
        %get3A_245 = tpu.vector_load %arg8[%get3A_243, %get3A_244] {strides = array<i32>} : memref<32x1024xf32, #tpu.memory_space<vmem>>, vector<1x16xf32>,
        %get3A_246 = vector.shape_cast %get3A_245 : vector<1x16xf32> to vector<16xf32>
        %get3A_247 = arith.index_cast %add3A_34 : i32 to index
        %get3A_248 = arith.constant 240 : index
        %get3A_249 = tpu.vector_load %arg9[%get3A_247, %get3A_248] {strides = array<i32>} : memref<32x1024xf32, #tpu.memory_space<vmem>>, vector<1x16xf32>,
        %get3A_250 = vector.shape_cast %get3A_249 : vector<1x16xf32> to vector<16xf32>
        %add3A_251 = arith.addf %get3A_246, %get3A_250 : vector<16xf32>
        %swap3A_252 = arith.index_cast %add3A_34 : i32 to index
        %swap3A_253 = arith.constant 240 : index
        %swap3A_254 = tpu.vector_load %arg8[%swap3A_252, %swap3A_253] {strides = array<i32>} : memref<32x1024xf32, #tpu.memory_space<vmem>>, vector<1x16xf32>,
        %swap3A_255 = vector.shape_cast %swap3A_254 : vector<1x16xf32> to vector<16xf32>
        %swap3A_256 = vector.shape_cast %add3A_251 : vector<16xf32> to vector<1x16xf32>
        tpu.vector_store %arg8[%swap3A_252, %swap3A_253], %swap3A_256 {strides = array<i32>} : memref<32x1024xf32, #tpu.memory_space<vmem>>, vector<1x16xf32>,
        %get3A_257 = arith.index_cast %add3A_34 : i32 to index
        %get3A_258 = arith.constant 256 : index
        %get3A_259 = tpu.vector_load %arg8[%get3A_257, %get3A_258] {strides = array<i32>} : memref<32x1024xf32, #tpu.memory_space<vmem>>, vector<1x16xf32>,
        %get3A_260 = vector.shape_cast %get3A_259 : vector<1x16xf32> to vector<16xf32>
        %get3A_261 = arith.index_cast %add3A_34 : i32 to index
        %get3A_262 = arith.constant 256 : index
        %get3A_263 = tpu.vector_load %arg9[%get3A_261, %get3A_262] {strides = array<i32>} : memref<32x1024xf32, #tpu.memory_space<vmem>>, vector<1x16xf32>,
        %get3A_264 = vector.shape_cast %get3A_263 : vector<1x16xf32> to vector<16xf32>
        %add3A_265 = arith.addf %get3A_260, %get3A_264 : vector<16xf32>
        %swap3A_266 = arith.index_cast %add3A_34 : i32 to index
        %swap3A_267 = arith.constant 256 : index
        %swap3A_268 = tpu.vector_load %arg8[%swap3A_266, %swap3A_267] {strides = array<i32>} : memref<32x1024xf32, #tpu.memory_space<vmem>>, vector<1x16xf32>,
        %swap3A_269 = vector.shape_cast %swap3A_268 : vector<1x16xf32> to vector<16xf32>
        %swap3A_270 = vector.shape_cast %add3A_265 : vector<16xf32> to vector<1x16xf32>
        tpu.vector_store %arg8[%swap3A_266, %swap3A_267], %swap3A_270 {strides = array<i32>} : memref<32x1024xf32, #tpu.memory_space<vmem>>, vector<1x16xf32>,
        %get3A_271 = arith.index_cast %add3A_34 : i32 to index
        %get3A_272 = arith.constant 272 : index
        %get3A_273 = tpu.vector_load %arg8[%get3A_271, %get3A_272] {strides = array<i32>} : memref<32x1024xf32, #tpu.memory_space<vmem>>, vector<1x16xf32>,
        %get3A_274 = vector.shape_cast %get3A_273 : vector<1x16xf32> to vector<16xf32>
        %get3A_275 = arith.index_cast %add3A_34 : i32 to index
        %get3A_276 = arith.constant 272 : index
        %get3A_277 = tpu.vector_load %arg9[%get3A_275, %get3A_276] {strides = array<i32>} : memref<32x1024xf32, #tpu.memory_space<vmem>>, vector<1x16xf32>,
        %get3A_278 = vector.shape_cast %get3A_277 : vector<1x16xf32> to vector<16xf32>
        %add3A_279 = arith.addf %get3A_274, %get3A_278 : vector<16xf32>
        %swap3A_280 = arith.index_cast %add3A_34 : i32 to index
        %swap3A_281 = arith.constant 272 : index
        %swap3A_282 = tpu.vector_load %arg8[%swap3A_280, %swap3A_281] {strides = array<i32>} : memref<32x1024xf32, #tpu.memory_space<vmem>>, vector<1x16xf32>,
        %swap3A_283 = vector.shape_cast %swap3A_282 : vector<1x16xf32> to vector<16xf32>
        %swap3A_284 = vector.shape_cast %add3A_279 : vector<16xf32> to vector<1x16xf32>
        tpu.vector_store %arg8[%swap3A_280, %swap3A_281], %swap3A_284 {strides = array<i32>} : memref<32x1024xf32, #tpu.memory_space<vmem>>, vector<1x16xf32>,
        %get3A_285 = arith.index_cast %add3A_34 : i32 to index
        %get3A_286 = arith.constant 288 : index
        %get3A_287 = tpu.vector_load %arg8[%get3A_285, %get3A_286] {strides = array<i32>} : memref<32x1024xf32, #tpu.memory_space<vmem>>, vector<1x16xf32>,
        %get3A_288 = vector.shape_cast %get3A_287 : vector<1x16xf32> to vector<16xf32>
        %get3A_289 = arith.index_cast %add3A_34 : i32 to index
        %get3A_290 = arith.constant 288 : index
        %get3A_291 = tpu.vector_load %arg9[%get3A_289, %get3A_290] {strides = array<i32>} : memref<32x1024xf32, #tpu.memory_space<vmem>>, vector<1x16xf32>,
        %get3A_292 = vector.shape_cast %get3A_291 : vector<1x16xf32> to vector<16xf32>
        %add3A_293 = arith.addf %get3A_288, %get3A_292 : vector<16xf32>
        %swap3A_294 = arith.index_cast %add3A_34 : i32 to index
        %swap3A_295 = arith.constant 288 : index
        %swap3A_296 = tpu.vector_load %arg8[%swap3A_294, %swap3A_295] {strides = array<i32>} : memref<32x1024xf32, #tpu.memory_space<vmem>>, vector<1x16xf32>,
        %swap3A_297 = vector.shape_cast %swap3A_296 : vector<1x16xf32> to vector<16xf32>
        %swap3A_298 = vector.shape_cast %add3A_293 : vector<16xf32> to vector<1x16xf32>
        tpu.vector_store %arg8[%swap3A_294, %swap3A_295], %swap3A_298 {strides = array<i32>} : memref<32x1024xf32, #tpu.memory_space<vmem>>, vector<1x16xf32>,
        %get3A_299 = arith.index_cast %add3A_34 : i32 to index
        %get3A_300 = arith.constant 304 : index
        %get3A_301 = tpu.vector_load %arg8[%get3A_299, %get3A_300] {strides = array<i32>} : memref<32x1024xf32, #tpu.memory_space<vmem>>, vector<1x16xf32>,
        %get3A_302 = vector.shape_cast %get3A_301 : vector<1x16xf32> to vector<16xf32>
        %get3A_303 = arith.index_cast %add3A_34 : i32 to index
        %get3A_304 = arith.constant 304 : index
        %get3A_305 = tpu.vector_load %arg9[%get3A_303, %get3A_304] {strides = array<i32>} : memref<32x1024xf32, #tpu.memory_space<vmem>>, vector<1x16xf32>,
        %get3A_306 = vector.shape_cast %get3A_305 : vector<1x16xf32> to vector<16xf32>
        %add3A_307 = arith.addf %get3A_302, %get3A_306 : vector<16xf32>
        %swap3A_308 = arith.index_cast %add3A_34 : i32 to index
        %swap3A_309 = arith.constant 304 : index
        %swap3A_310 = tpu.vector_load %arg8[%swap3A_308, %swap3A_309] {strides = array<i32>} : memref<32x1024xf32, #tpu.memory_space<vmem>>, vector<1x16xf32>,
        %swap3A_311 = vector.shape_cast %swap3A_310 : vector<1x16xf32> to vector<16xf32>
        %swap3A_312 = vector.shape_cast %add3A_307 : vector<16xf32> to vector<1x16xf32>
        tpu.vector_store %arg8[%swap3A_308, %swap3A_309], %swap3A_312 {strides = array<i32>} : memref<32x1024xf32, #tpu.memory_space<vmem>>, vector<1x16xf32>,
        %get3A_313 = arith.index_cast %add3A_34 : i32 to index
        %get3A_314 = arith.constant 320 : index
        %get3A_315 = tpu.vector_load %arg8[%get3A_313, %get3A_314] {strides = array<i32>} : memref<32x1024xf32, #tpu.memory_space<vmem>>, vector<1x16xf32>,
        %get3A_316 = vector.shape_cast %get3A_315 : vector<1x16xf32> to vector<16xf32>
        %get3A_317 = arith.index_cast %add3A_34 : i32 to index
        %get3A_318 = arith.constant 320 : index
        %get3A_319 = tpu.vector_load %arg9[%get3A_317, %get3A_318] {strides = array<i32>} : memref<32x1024xf32, #tpu.memory_space<vmem>>, vector<1x16xf32>,
        %get3A_320 = vector.shape_cast %get3A_319 : vector<1x16xf32> to vector<16xf32>
        %add3A_321 = arith.addf %get3A_316, %get3A_320 : vector<16xf32>
        %swap3A_322 = arith.index_cast %add3A_34 : i32 to index
        %swap3A_323 = arith.constant 320 : index
        %swap3A_324 = tpu.vector_load %arg8[%swap3A_322, %swap3A_323] {strides = array<i32>} : memref<32x1024xf32, #tpu.memory_space<vmem>>, vector<1x16xf32>,
        %swap3A_325 = vector.shape_cast %swap3A_324 : vector<1x16xf32> to vector<16xf32>
        %swap3A_326 = vector.shape_cast %add3A_321 : vector<16xf32> to vector<1x16xf32>
        tpu.vector_store %arg8[%swap3A_322, %swap3A_323], %swap3A_326 {strides = array<i32>} : memref<32x1024xf32, #tpu.memory_space<vmem>>, vector<1x16xf32>,
        %get3A_327 = arith.index_cast %add3A_34 : i32 to index
        %get3A_328 = arith.constant 336 : index
        %get3A_329 = tpu.vector_load %arg8[%get3A_327, %get3A_328] {strides = array<i32>} : memref<32x1024xf32, #tpu.memory_space<vmem>>, vector<1x16xf32>,
        %get3A_330 = vector.shape_cast %get3A_329 : vector<1x16xf32> to vector<16xf32>
        %get3A_331 = arith.index_cast %add3A_34 : i32 to index
        %get3A_332 = arith.constant 336 : index
        %get3A_333 = tpu.vector_load %arg9[%get3A_331, %get3A_332] {strides = array<i32>} : memref<32x1024xf32, #tpu.memory_space<vmem>>, vector<1x16xf32>,
        %get3A_334 = vector.shape_cast %get3A_333 : vector<1x16xf32> to vector<16xf32>
        %add3A_335 = arith.addf %get3A_330, %get3A_334 : vector<16xf32>
        %swap3A_336 = arith.index_cast %add3A_34 : i32 to index
        %swap3A_337 = arith.constant 336 : index
        %swap3A_338 = tpu.vector_load %arg8[%swap3A_336, %swap3A_337] {strides = array<i32>} : memref<32x1024xf32, #tpu.memory_space<vmem>>, vector<1x16xf32>,
        %swap3A_339 = vector.shape_cast %swap3A_338 : vector<1x16xf32> to vector<16xf32>
        %swap3A_340 = vector.shape_cast %add3A_335 : vector<16xf32> to vector<1x16xf32>
        tpu.vector_store %arg8[%swap3A_336, %swap3A_337], %swap3A_340 {strides = array<i32>} : memref<32x1024xf32, #tpu.memory_space<vmem>>, vector<1x16xf32>,
        %get3A_341 = arith.index_cast %add3A_34 : i32 to index
        %get3A_342 = arith.constant 352 : index
        %get3A_343 = tpu.vector_load %arg8[%get3A_341, %get3A_342] {strides = array<i32>} : memref<32x1024xf32, #tpu.memory_space<vmem>>, vector<1x16xf32>,
        %get3A_344 = vector.shape_cast %get3A_343 : vector<1x16xf32> to vector<16xf32>
        %get3A_345 = arith.index_cast %add3A_34 : i32 to index
        %get3A_346 = arith.constant 352 : index
        %get3A_347 = tpu.vector_load %arg9[%get3A_345, %get3A_346] {strides = array<i32>} : memref<32x1024xf32, #tpu.memory_space<vmem>>, vector<1x16xf32>,
        %get3A_348 = vector.shape_cast %get3A_347 : vector<1x16xf32> to vector<16xf32>
        %add3A_349 = arith.addf %get3A_344, %get3A_348 : vector<16xf32>
        %swap3A_350 = arith.index_cast %add3A_34 : i32 to index
        %swap3A_351 = arith.constant 352 : index
        %swap3A_352 = tpu.vector_load %arg8[%swap3A_350, %swap3A_351] {strides = array<i32>} : memref<32x1024xf32, #tpu.memory_space<vmem>>, vector<1x16xf32>,
        %swap3A_353 = vector.shape_cast %swap3A_352 : vector<1x16xf32> to vector<16xf32>
        %swap3A_354 = vector.shape_cast %add3A_349 : vector<16xf32> to vector<1x16xf32>
        tpu.vector_store %arg8[%swap3A_350, %swap3A_351], %swap3A_354 {strides = array<i32>} : memref<32x1024xf32, #tpu.memory_space<vmem>>, vector<1x16xf32>,
        %get3A_355 = arith.index_cast %add3A_34 : i32 to index
        %get3A_356 = arith.constant 368 : index
        %get3A_357 = tpu.vector_load %arg8[%get3A_355, %get3A_356] {strides = array<i32>} : memref<32x1024xf32, #tpu.memory_space<vmem>>, vector<1x16xf32>,
        %get3A_358 = vector.shape_cast %get3A_357 : vector<1x16xf32> to vector<16xf32>
        %get3A_359 = arith.index_cast %add3A_34 : i32 to index
        %get3A_360 = arith.constant 368 : index
        %get3A_361 = tpu.vector_load %arg9[%get3A_359, %get3A_360] {strides = array<i32>} : memref<32x1024xf32, #tpu.memory_space<vmem>>, vector<1x16xf32>,
        %get3A_362 = vector.shape_cast %get3A_361 : vector<1x16xf32> to vector<16xf32>
        %add3A_363 = arith.addf %get3A_358, %get3A_362 : vector<16xf32>
        %swap3A_364 = arith.index_cast %add3A_34 : i32 to index
        %swap3A_365 = arith.constant 368 : index
        %swap3A_366 = tpu.vector_load %arg8[%swap3A_364, %swap3A_365] {strides = array<i32>} : memref<32x1024xf32, #tpu.memory_space<vmem>>, vector<1x16xf32>,
        %swap3A_367 = vector.shape_cast %swap3A_366 : vector<1x16xf32> to vector<16xf32>
        %swap3A_368 = vector.shape_cast %add3A_363 : vector<16xf32> to vector<1x16xf32>
        tpu.vector_store %arg8[%swap3A_364, %swap3A_365], %swap3A_368 {strides = array<i32>} : memref<32x1024xf32, #tpu.memory_space<vmem>>, vector<1x16xf32>,
        %get3A_369 = arith.index_cast %add3A_34 : i32 to index
        %get3A_370 = arith.constant 384 : index
        %get3A_371 = tpu.vector_load %arg8[%get3A_369, %get3A_370] {strides = array<i32>} : memref<32x1024xf32, #tpu.memory_space<vmem>>, vector<1x16xf32>,
        %get3A_372 = vector.shape_cast %get3A_371 : vector<1x16xf32> to vector<16xf32>
        %get3A_373 = arith.index_cast %add3A_34 : i32 to index
        %get3A_374 = arith.constant 384 : index
        %get3A_375 = tpu.vector_load %arg9[%get3A_373, %get3A_374] {strides = array<i32>} : memref<32x1024xf32, #tpu.memory_space<vmem>>, vector<1x16xf32>,
        %get3A_376 = vector.shape_cast %get3A_375 : vector<1x16xf32> to vector<16xf32>
        %add3A_377 = arith.addf %get3A_372, %get3A_376 : vector<16xf32>
        %swap3A_378 = arith.index_cast %add3A_34 : i32 to index
        %swap3A_379 = arith.constant 384 : index
        %swap3A_380 = tpu.vector_load %arg8[%swap3A_378, %swap3A_379] {strides = array<i32>} : memref<32x1024xf32, #tpu.memory_space<vmem>>, vector<1x16xf32>,
        %swap3A_381 = vector.shape_cast %swap3A_380 : vector<1x16xf32> to vector<16xf32>
        %swap3A_382 = vector.shape_cast %add3A_377 : vector<16xf32> to vector<1x16xf32>
        tpu.vector_store %arg8[%swap3A_378, %swap3A_379], %swap3A_382 {strides = array<i32>} : memref<32x1024xf32, #tpu.memory_space<vmem>>, vector<1x16xf32>,
        %get3A_383 = arith.index_cast %add3A_34 : i32 to index
        %get3A_384 = arith.constant 400 : index
        %get3A_385 = tpu.vector_load %arg8[%get3A_383, %get3A_384] {strides = array<i32>} : memref<32x1024xf32, #tpu.memory_space<vmem>>, vector<1x16xf32>,
        %get3A_386 = vector.shape_cast %get3A_385 : vector<1x16xf32> to vector<16xf32>
        %get3A_387 = arith.index_cast %add3A_34 : i32 to index
        %get3A_388 = arith.constant 400 : index
        %get3A_389 = tpu.vector_load %arg9[%get3A_387, %get3A_388] {strides = array<i32>} : memref<32x1024xf32, #tpu.memory_space<vmem>>, vector<1x16xf32>,
        %get3A_390 = vector.shape_cast %get3A_389 : vector<1x16xf32> to vector<16xf32>
        %add3A_391 = arith.addf %get3A_386, %get3A_390 : vector<16xf32>
        %swap3A_392 = arith.index_cast %add3A_34 : i32 to index
        %swap3A_393 = arith.constant 400 : index
        %swap3A_394 = tpu.vector_load %arg8[%swap3A_392, %swap3A_393] {strides = array<i32>} : memref<32x1024xf32, #tpu.memory_space<vmem>>, vector<1x16xf32>,
        %swap3A_395 = vector.shape_cast %swap3A_394 : vector<1x16xf32> to vector<16xf32>
        %swap3A_396 = vector.shape_cast %add3A_391 : vector<16xf32> to vector<1x16xf32>
        tpu.vector_store %arg8[%swap3A_392, %swap3A_393], %swap3A_396 {strides = array<i32>} : memref<32x1024xf32, #tpu.memory_space<vmem>>, vector<1x16xf32>,
        %get3A_397 = arith.index_cast %add3A_34 : i32 to index
        %get3A_398 = arith.constant 416 : index
        %get3A_399 = tpu.vector_load %arg8[%get3A_397, %get3A_398] {strides = array<i32>} : memref<32x1024xf32, #tpu.memory_space<vmem>>, vector<1x16xf32>,
        %get3A_400 = vector.shape_cast %get3A_399 : vector<1x16xf32> to vector<16xf32>
        %get3A_401 = arith.index_cast %add3A_34 : i32 to index
        %get3A_402 = arith.constant 416 : index
        %get3A_403 = tpu.vector_load %arg9[%get3A_401, %get3A_402] {strides = array<i32>} : memref<32x1024xf32, #tpu.memory_space<vmem>>, vector<1x16xf32>,
        %get3A_404 = vector.shape_cast %get3A_403 : vector<1x16xf32> to vector<16xf32>
        %add3A_405 = arith.addf %get3A_400, %get3A_404 : vector<16xf32>
        %swap3A_406 = arith.index_cast %add3A_34 : i32 to index
        %swap3A_407 = arith.constant 416 : index
        %swap3A_408 = tpu.vector_load %arg8[%swap3A_406, %swap3A_407] {strides = array<i32>} : memref<32x1024xf32, #tpu.memory_space<vmem>>, vector<1x16xf32>,
        %swap3A_409 = vector.shape_cast %swap3A_408 : vector<1x16xf32> to vector<16xf32>
        %swap3A_410 = vector.shape_cast %add3A_405 : vector<16xf32> to vector<1x16xf32>
        tpu.vector_store %arg8[%swap3A_406, %swap3A_407], %swap3A_410 {strides = array<i32>} : memref<32x1024xf32, #tpu.memory_space<vmem>>, vector<1x16xf32>,
        %get3A_411 = arith.index_cast %add3A_34 : i32 to index
        %get3A_412 = arith.constant 432 : index
        %get3A_413 = tpu.vector_load %arg8[%get3A_411, %get3A_412] {strides = array<i32>} : memref<32x1024xf32, #tpu.memory_space<vmem>>, vector<1x16xf32>,
        %get3A_414 = vector.shape_cast %get3A_413 : vector<1x16xf32> to vector<16xf32>
        %get3A_415 = arith.index_cast %add3A_34 : i32 to index
        %get3A_416 = arith.constant 432 : index
        %get3A_417 = tpu.vector_load %arg9[%get3A_415, %get3A_416] {strides = array<i32>} : memref<32x1024xf32, #tpu.memory_space<vmem>>, vector<1x16xf32>,
        %get3A_418 = vector.shape_cast %get3A_417 : vector<1x16xf32> to vector<16xf32>
        %add3A_419 = arith.addf %get3A_414, %get3A_418 : vector<16xf32>
        %swap3A_420 = arith.index_cast %add3A_34 : i32 to index
        %swap3A_421 = arith.constant 432 : index
        %swap3A_422 = tpu.vector_load %arg8[%swap3A_420, %swap3A_421] {strides = array<i32>} : memref<32x1024xf32, #tpu.memory_space<vmem>>, vector<1x16xf32>,
        %swap3A_423 = vector.shape_cast %swap3A_422 : vector<1x16xf32> to vector<16xf32>
        %swap3A_424 = vector.shape_cast %add3A_419 : vector<16xf32> to vector<1x16xf32>
        tpu.vector_store %arg8[%swap3A_420, %swap3A_421], %swap3A_424 {strides = array<i32>} : memref<32x1024xf32, #tpu.memory_space<vmem>>, vector<1x16xf32>,
        %get3A_425 = arith.index_cast %add3A_34 : i32 to index
        %get3A_426 = arith.constant 448 : index
        %get3A_427 = tpu.vector_load %arg8[%get3A_425, %get3A_426] {strides = array<i32>} : memref<32x1024xf32, #tpu.memory_space<vmem>>, vector<1x16xf32>,
        %get3A_428 = vector.shape_cast %get3A_427 : vector<1x16xf32> to vector<16xf32>
        %get3A_429 = arith.index_cast %add3A_34 : i32 to index
        %get3A_430 = arith.constant 448 : index
        %get3A_431 = tpu.vector_load %arg9[%get3A_429, %get3A_430] {strides = array<i32>} : memref<32x1024xf32, #tpu.memory_space<vmem>>, vector<1x16xf32>,
        %get3A_432 = vector.shape_cast %get3A_431 : vector<1x16xf32> to vector<16xf32>
        %add3A_433 = arith.addf %get3A_428, %get3A_432 : vector<16xf32>
        %swap3A_434 = arith.index_cast %add3A_34 : i32 to index
        %swap3A_435 = arith.constant 448 : index
        %swap3A_436 = tpu.vector_load %arg8[%swap3A_434, %swap3A_435] {strides = array<i32>} : memref<32x1024xf32, #tpu.memory_space<vmem>>, vector<1x16xf32>,
        %swap3A_437 = vector.shape_cast %swap3A_436 : vector<1x16xf32> to vector<16xf32>
        %swap3A_438 = vector.shape_cast %add3A_433 : vector<16xf32> to vector<1x16xf32>
        tpu.vector_store %arg8[%swap3A_434, %swap3A_435], %swap3A_438 {strides = array<i32>} : memref<32x1024xf32, #tpu.memory_space<vmem>>, vector<1x16xf32>,
        %get3A_439 = arith.index_cast %add3A_34 : i32 to index
        %get3A_440 = arith.constant 464 : index
        %get3A_441 = tpu.vector_load %arg8[%get3A_439, %get3A_440] {strides = array<i32>} : memref<32x1024xf32, #tpu.memory_space<vmem>>, vector<1x16xf32>,
        %get3A_442 = vector.shape_cast %get3A_441 : vector<1x16xf32> to vector<16xf32>
        %get3A_443 = arith.index_cast %add3A_34 : i32 to index
        %get3A_444 = arith.constant 464 : index
        %get3A_445 = tpu.vector_load %arg9[%get3A_443, %get3A_444] {strides = array<i32>} : memref<32x1024xf32, #tpu.memory_space<vmem>>, vector<1x16xf32>,
        %get3A_446 = vector.shape_cast %get3A_445 : vector<1x16xf32> to vector<16xf32>
        %add3A_447 = arith.addf %get3A_442, %get3A_446 : vector<16xf32>
        %swap3A_448 = arith.index_cast %add3A_34 : i32 to index
        %swap3A_449 = arith.constant 464 : index
        %swap3A_450 = tpu.vector_load %arg8[%swap3A_448, %swap3A_449] {strides = array<i32>} : memref<32x1024xf32, #tpu.memory_space<vmem>>, vector<1x16xf32>,
        %swap3A_451 = vector.shape_cast %swap3A_450 : vector<1x16xf32> to vector<16xf32>
        %swap3A_452 = vector.shape_cast %add3A_447 : vector<16xf32> to vector<1x16xf32>
        tpu.vector_store %arg8[%swap3A_448, %swap3A_449], %swap3A_452 {strides = array<i32>} : memref<32x1024xf32, #tpu.memory_space<vmem>>, vector<1x16xf32>,
        %get3A_453 = arith.index_cast %add3A_34 : i32 to index
        %get3A_454 = arith.constant 480 : index
        %get3A_455 = tpu.vector_load %arg8[%get3A_453, %get3A_454] {strides = array<i32>} : memref<32x1024xf32, #tpu.memory_space<vmem>>, vector<1x16xf32>,
        %get3A_456 = vector.shape_cast %get3A_455 : vector<1x16xf32> to vector<16xf32>
        %get3A_457 = arith.index_cast %add3A_34 : i32 to index
        %get3A_458 = arith.constant 480 : index
        %get3A_459 = tpu.vector_load %arg9[%get3A_457, %get3A_458] {strides = array<i32>} : memref<32x1024xf32, #tpu.memory_space<vmem>>, vector<1x16xf32>,
        %get3A_460 = vector.shape_cast %get3A_459 : vector<1x16xf32> to vector<16xf32>
        %add3A_461 = arith.addf %get3A_456, %get3A_460 : vector<16xf32>
        %swap3A_462 = arith.index_cast %add3A_34 : i32 to index
        %swap3A_463 = arith.constant 480 : index
        %swap3A_464 = tpu.vector_load %arg8[%swap3A_462, %swap3A_463] {strides = array<i32>} : memref<32x1024xf32, #tpu.memory_space<vmem>>, vector<1x16xf32>,
        %swap3A_465 = vector.shape_cast %swap3A_464 : vector<1x16xf32> to vector<16xf32>
        %swap3A_466 = vector.shape_cast %add3A_461 : vector<16xf32> to vector<1x16xf32>
        tpu.vector_store %arg8[%swap3A_462, %swap3A_463], %swap3A_466 {strides = array<i32>} : memref<32x1024xf32, #tpu.memory_space<vmem>>, vector<1x16xf32>,
        %get3A_467 = arith.index_cast %add3A_34 : i32 to index
        %get3A_468 = arith.constant 496 : index
        %get3A_469 = tpu.vector_load %arg8[%get3A_467, %get3A_468] {strides = array<i32>} : memref<32x1024xf32, #tpu.memory_space<vmem>>, vector<1x16xf32>,
        %get3A_470 = vector.shape_cast %get3A_469 : vector<1x16xf32> to vector<16xf32>
        %get3A_471 = arith.index_cast %add3A_34 : i32 to index
        %get3A_472 = arith.constant 496 : index
        %get3A_473 = tpu.vector_load %arg9[%get3A_471, %get3A_472] {strides = array<i32>} : memref<32x1024xf32, #tpu.memory_space<vmem>>, vector<1x16xf32>,
        %get3A_474 = vector.shape_cast %get3A_473 : vector<1x16xf32> to vector<16xf32>
        %add3A_475 = arith.addf %get3A_470, %get3A_474 : vector<16xf32>
        %swap3A_476 = arith.index_cast %add3A_34 : i32 to index
        %swap3A_477 = arith.constant 496 : index
        %swap3A_478 = tpu.vector_load %arg8[%swap3A_476, %swap3A_477] {strides = array<i32>} : memref<32x1024xf32, #tpu.memory_space<vmem>>, vector<1x16xf32>,
        %swap3A_479 = vector.shape_cast %swap3A_478 : vector<1x16xf32> to vector<16xf32>
        %swap3A_480 = vector.shape_cast %add3A_475 : vector<16xf32> to vector<1x16xf32>
        tpu.vector_store %arg8[%swap3A_476, %swap3A_477], %swap3A_480 {strides = array<i32>} : memref<32x1024xf32, #tpu.memory_space<vmem>>, vector<1x16xf32>,
        %get3A_481 = arith.index_cast %add3A_34 : i32 to index
        %get3A_482 = arith.constant 512 : index
        %get3A_483 = tpu.vector_load %arg8[%get3A_481, %get3A_482] {strides = array<i32>} : memref<32x1024xf32, #tpu.memory_space<vmem>>, vector<1x16xf32>,
        %get3A_484 = vector.shape_cast %get3A_483 : vector<1x16xf32> to vector<16xf32>
        %get3A_485 = arith.index_cast %add3A_34 : i32 to index
        %get3A_486 = arith.constant 512 : index
        %get3A_487 = tpu.vector_load %arg9[%get3A_485, %get3A_486] {strides = array<i32>} : memref<32x1024xf32, #tpu.memory_space<vmem>>, vector<1x16xf32>,
        %get3A_488 = vector.shape_cast %get3A_487 : vector<1x16xf32> to vector<16xf32>
        %add3A_489 = arith.addf %get3A_484, %get3A_488 : vector<16xf32>
        %swap3A_490 = arith.index_cast %add3A_34 : i32 to index
        %swap3A_491 = arith.constant 512 : index
        %swap3A_492 = tpu.vector_load %arg8[%swap3A_490, %swap3A_491] {strides = array<i32>} : memref<32x1024xf32, #tpu.memory_space<vmem>>, vector<1x16xf32>,
        %swap3A_493 = vector.shape_cast %swap3A_492 : vector<1x16xf32> to vector<16xf32>
        %swap3A_494 = vector.shape_cast %add3A_489 : vector<16xf32> to vector<1x16xf32>
        tpu.vector_store %arg8[%swap3A_490, %swap3A_491], %swap3A_494 {strides = array<i32>} : memref<32x1024xf32, #tpu.memory_space<vmem>>, vector<1x16xf32>,
        %get3A_495 = arith.index_cast %add3A_34 : i32 to index
        %get3A_496 = arith.constant 528 : index
        %get3A_497 = tpu.vector_load %arg8[%get3A_495, %get3A_496] {strides = array<i32>} : memref<32x1024xf32, #tpu.memory_space<vmem>>, vector<1x16xf32>,
        %get3A_498 = vector.shape_cast %get3A_497 : vector<1x16xf32> to vector<16xf32>
        %get3A_499 = arith.index_cast %add3A_34 : i32 to index
        %get3A_500 = arith.constant 528 : index
        %get3A_501 = tpu.vector_load %arg9[%get3A_499, %get3A_500] {strides = array<i32>} : memref<32x1024xf32, #tpu.memory_space<vmem>>, vector<1x16xf32>,
        %get3A_502 = vector.shape_cast %get3A_501 : vector<1x16xf32> to vector<16xf32>
        %add3A_503 = arith.addf %get3A_498, %get3A_502 : vector<16xf32>
        %swap3A_504 = arith.index_cast %add3A_34 : i32 to index
        %swap3A_505 = arith.constant 528 : index
        %swap3A_506 = tpu.vector_load %arg8[%swap3A_504, %swap3A_505] {strides = array<i32>} : memref<32x1024xf32, #tpu.memory_space<vmem>>, vector<1x16xf32>,
        %swap3A_507 = vector.shape_cast %swap3A_506 : vector<1x16xf32> to vector<16xf32>
        %swap3A_508 = vector.shape_cast %add3A_503 : vector<16xf32> to vector<1x16xf32>
        tpu.vector_store %arg8[%swap3A_504, %swap3A_505], %swap3A_508 {strides = array<i32>} : memref<32x1024xf32, #tpu.memory_space<vmem>>, vector<1x16xf32>,
        %get3A_509 = arith.index_cast %add3A_34 : i32 to index
        %get3A_510 = arith.constant 544 : index
        %get3A_511 = tpu.vector_load %arg8[%get3A_509, %get3A_510] {strides = array<i32>} : memref<32x1024xf32, #tpu.memory_space<vmem>>, vector<1x16xf32>,
        %get3A_512 = vector.shape_cast %get3A_511 : vector<1x16xf32> to vector<16xf32>
        %get3A_513 = arith.index_cast %add3A_34 : i32 to index
        %get3A_514 = arith.constant 544 : index
        %get3A_515 = tpu.vector_load %arg9[%get3A_513, %get3A_514] {strides = array<i32>} : memref<32x1024xf32, #tpu.memory_space<vmem>>, vector<1x16xf32>,
        %get3A_516 = vector.shape_cast %get3A_515 : vector<1x16xf32> to vector<16xf32>
        %add3A_517 = arith.addf %get3A_512, %get3A_516 : vector<16xf32>
        %swap3A_518 = arith.index_cast %add3A_34 : i32 to index
        %swap3A_519 = arith.constant 544 : index
        %swap3A_520 = tpu.vector_load %arg8[%swap3A_518, %swap3A_519] {strides = array<i32>} : memref<32x1024xf32, #tpu.memory_space<vmem>>, vector<1x16xf32>,
        %swap3A_521 = vector.shape_cast %swap3A_520 : vector<1x16xf32> to vector<16xf32>
        %swap3A_522 = vector.shape_cast %add3A_517 : vector<16xf32> to vector<1x16xf32>
        tpu.vector_store %arg8[%swap3A_518, %swap3A_519], %swap3A_522 {strides = array<i32>} : memref<32x1024xf32, #tpu.memory_space<vmem>>, vector<1x16xf32>,
        %get3A_523 = arith.index_cast %add3A_34 : i32 to index
        %get3A_524 = arith.constant 560 : index
        %get3A_525 = tpu.vector_load %arg8[%get3A_523, %get3A_524] {strides = array<i32>} : memref<32x1024xf32, #tpu.memory_space<vmem>>, vector<1x16xf32>,
        %get3A_526 = vector.shape_cast %get3A_525 : vector<1x16xf32> to vector<16xf32>
        %get3A_527 = arith.index_cast %add3A_34 : i32 to index
        %get3A_528 = arith.constant 560 : index
        %get3A_529 = tpu.vector_load %arg9[%get3A_527, %get3A_528] {strides = array<i32>} : memref<32x1024xf32, #tpu.memory_space<vmem>>, vector<1x16xf32>,
        %get3A_530 = vector.shape_cast %get3A_529 : vector<1x16xf32> to vector<16xf32>
        %add3A_531 = arith.addf %get3A_526, %get3A_530 : vector<16xf32>
        %swap3A_532 = arith.index_cast %add3A_34 : i32 to index
        %swap3A_533 = arith.constant 560 : index
        %swap3A_534 = tpu.vector_load %arg8[%swap3A_532, %swap3A_533] {strides = array<i32>} : memref<32x1024xf32, #tpu.memory_space<vmem>>, vector<1x16xf32>,
        %swap3A_535 = vector.shape_cast %swap3A_534 : vector<1x16xf32> to vector<16xf32>
        %swap3A_536 = vector.shape_cast %add3A_531 : vector<16xf32> to vector<1x16xf32>
        tpu.vector_store %arg8[%swap3A_532, %swap3A_533], %swap3A_536 {strides = array<i32>} : memref<32x1024xf32, #tpu.memory_space<vmem>>, vector<1x16xf32>,
        %get3A_537 = arith.index_cast %add3A_34 : i32 to index
        %get3A_538 = arith.constant 576 : index
        %get3A_539 = tpu.vector_load %arg8[%get3A_537, %get3A_538] {strides = array<i32>} : memref<32x1024xf32, #tpu.memory_space<vmem>>, vector<1x16xf32>,
        %get3A_540 = vector.shape_cast %get3A_539 : vector<1x16xf32> to vector<16xf32>
        %get3A_541 = arith.index_cast %add3A_34 : i32 to index
        %get3A_542 = arith.constant 576 : index
        %get3A_543 = tpu.vector_load %arg9[%get3A_541, %get3A_542] {strides = array<i32>} : memref<32x1024xf32, #tpu.memory_space<vmem>>, vector<1x16xf32>,
        %get3A_544 = vector.shape_cast %get3A_543 : vector<1x16xf32> to vector<16xf32>
        %add3A_545 = arith.addf %get3A_540, %get3A_544 : vector<16xf32>
        %swap3A_546 = arith.index_cast %add3A_34 : i32 to index
        %swap3A_547 = arith.constant 576 : index
        %swap3A_548 = tpu.vector_load %arg8[%swap3A_546, %swap3A_547] {strides = array<i32>} : memref<32x1024xf32, #tpu.memory_space<vmem>>, vector<1x16xf32>,
        %swap3A_549 = vector.shape_cast %swap3A_548 : vector<1x16xf32> to vector<16xf32>
        %swap3A_550 = vector.shape_cast %add3A_545 : vector<16xf32> to vector<1x16xf32>
        tpu.vector_store %arg8[%swap3A_546, %swap3A_547], %swap3A_550 {strides = array<i32>} : memref<32x1024xf32, #tpu.memory_space<vmem>>, vector<1x16xf32>,
        %get3A_551 = arith.index_cast %add3A_34 : i32 to index
        %get3A_552 = arith.constant 592 : index
        %get3A_553 = tpu.vector_load %arg8[%get3A_551, %get3A_552] {strides = array<i32>} : memref<32x1024xf32, #tpu.memory_space<vmem>>, vector<1x16xf32>,
        %get3A_554 = vector.shape_cast %get3A_553 : vector<1x16xf32> to vector<16xf32>
        %get3A_555 = arith.index_cast %add3A_34 : i32 to index
        %get3A_556 = arith.constant 592 : index
        %get3A_557 = tpu.vector_load %arg9[%get3A_555, %get3A_556] {strides = array<i32>} : memref<32x1024xf32, #tpu.memory_space<vmem>>, vector<1x16xf32>,
        %get3A_558 = vector.shape_cast %get3A_557 : vector<1x16xf32> to vector<16xf32>
        %add3A_559 = arith.addf %get3A_554, %get3A_558 : vector<16xf32>
        %swap3A_560 = arith.index_cast %add3A_34 : i32 to index
        %swap3A_561 = arith.constant 592 : index
        %swap3A_562 = tpu.vector_load %arg8[%swap3A_560, %swap3A_561] {strides = array<i32>} : memref<32x1024xf32, #tpu.memory_space<vmem>>, vector<1x16xf32>,
        %swap3A_563 = vector.shape_cast %swap3A_562 : vector<1x16xf32> to vector<16xf32>
        %swap3A_564 = vector.shape_cast %add3A_559 : vector<16xf32> to vector<1x16xf32>
        tpu.vector_store %arg8[%swap3A_560, %swap3A_561], %swap3A_564 {strides = array<i32>} : memref<32x1024xf32, #tpu.memory_space<vmem>>, vector<1x16xf32>,
        %get3A_565 = arith.index_cast %add3A_34 : i32 to index
        %get3A_566 = arith.constant 608 : index
        %get3A_567 = tpu.vector_load %arg8[%get3A_565, %get3A_566] {strides = array<i32>} : memref<32x1024xf32, #tpu.memory_space<vmem>>, vector<1x16xf32>,
        %get3A_568 = vector.shape_cast %get3A_567 : vector<1x16xf32> to vector<16xf32>
        %get3A_569 = arith.index_cast %add3A_34 : i32 to index
        %get3A_570 = arith.constant 608 : index
        %get3A_571 = tpu.vector_load %arg9[%get3A_569, %get3A_570] {strides = array<i32>} : memref<32x1024xf32, #tpu.memory_space<vmem>>, vector<1x16xf32>,
        %get3A_572 = vector.shape_cast %get3A_571 : vector<1x16xf32> to vector<16xf32>
        %add3A_573 = arith.addf %get3A_568, %get3A_572 : vector<16xf32>
        %swap3A_574 = arith.index_cast %add3A_34 : i32 to index
        %swap3A_575 = arith.constant 608 : index
        %swap3A_576 = tpu.vector_load %arg8[%swap3A_574, %swap3A_575] {strides = array<i32>} : memref<32x1024xf32, #tpu.memory_space<vmem>>, vector<1x16xf32>,
        %swap3A_577 = vector.shape_cast %swap3A_576 : vector<1x16xf32> to vector<16xf32>
        %swap3A_578 = vector.shape_cast %add3A_573 : vector<16xf32> to vector<1x16xf32>
        tpu.vector_store %arg8[%swap3A_574, %swap3A_575], %swap3A_578 {strides = array<i32>} : memref<32x1024xf32, #tpu.memory_space<vmem>>, vector<1x16xf32>,
        %get3A_579 = arith.index_cast %add3A_34 : i32 to index
        %get3A_580 = arith.constant 624 : index
        %get3A_581 = tpu.vector_load %arg8[%get3A_579, %get3A_580] {strides = array<i32>} : memref<32x1024xf32, #tpu.memory_space<vmem>>, vector<1x16xf32>,
        %get3A_582 = vector.shape_cast %get3A_581 : vector<1x16xf32> to vector<16xf32>
        %get3A_583 = arith.index_cast %add3A_34 : i32 to index
        %get3A_584 = arith.constant 624 : index
        %get3A_585 = tpu.vector_load %arg9[%get3A_583, %get3A_584] {strides = array<i32>} : memref<32x1024xf32, #tpu.memory_space<vmem>>, vector<1x16xf32>,
        %get3A_586 = vector.shape_cast %get3A_585 : vector<1x16xf32> to vector<16xf32>
        %add3A_587 = arith.addf %get3A_582, %get3A_586 : vector<16xf32>
        %swap3A_588 = arith.index_cast %add3A_34 : i32 to index
        %swap3A_589 = arith.constant 624 : index
        %swap3A_590 = tpu.vector_load %arg8[%swap3A_588, %swap3A_589] {strides = array<i32>} : memref<32x1024xf32, #tpu.memory_space<vmem>>, vector<1x16xf32>,
        %swap3A_591 = vector.shape_cast %swap3A_590 : vector<1x16xf32> to vector<16xf32>
        %swap3A_592 = vector.shape_cast %add3A_587 : vector<16xf32> to vector<1x16xf32>
        tpu.vector_store %arg8[%swap3A_588, %swap3A_589], %swap3A_592 {strides = array<i32>} : memref<32x1024xf32, #tpu.memory_space<vmem>>, vector<1x16xf32>,
        %get3A_593 = arith.index_cast %add3A_34 : i32 to index
        %get3A_594 = arith.constant 640 : index
        %get3A_595 = tpu.vector_load %arg8[%get3A_593, %get3A_594] {strides = array<i32>} : memref<32x1024xf32, #tpu.memory_space<vmem>>, vector<1x16xf32>,
        %get3A_596 = vector.shape_cast %get3A_595 : vector<1x16xf32> to vector<16xf32>
        %get3A_597 = arith.index_cast %add3A_34 : i32 to index
        %get3A_598 = arith.constant 640 : index
        %get3A_599 = tpu.vector_load %arg9[%get3A_597, %get3A_598] {strides = array<i32>} : memref<32x1024xf32, #tpu.memory_space<vmem>>, vector<1x16xf32>,
        %get3A_600 = vector.shape_cast %get3A_599 : vector<1x16xf32> to vector<16xf32>
        %add3A_601 = arith.addf %get3A_596, %get3A_600 : vector<16xf32>
        %swap3A_602 = arith.index_cast %add3A_34 : i32 to index
        %swap3A_603 = arith.constant 640 : index
        %swap3A_604 = tpu.vector_load %arg8[%swap3A_602, %swap3A_603] {strides = array<i32>} : memref<32x1024xf32, #tpu.memory_space<vmem>>, vector<1x16xf32>,
        %swap3A_605 = vector.shape_cast %swap3A_604 : vector<1x16xf32> to vector<16xf32>
        %swap3A_606 = vector.shape_cast %add3A_601 : vector<16xf32> to vector<1x16xf32>
        tpu.vector_store %arg8[%swap3A_602, %swap3A_603], %swap3A_606 {strides = array<i32>} : memref<32x1024xf32, #tpu.memory_space<vmem>>, vector<1x16xf32>,
        %get3A_607 = arith.index_cast %add3A_34 : i32 to index
        %get3A_608 = arith.constant 656 : index
        %get3A_609 = tpu.vector_load %arg8[%get3A_607, %get3A_608] {strides = array<i32>} : memref<32x1024xf32, #tpu.memory_space<vmem>>, vector<1x16xf32>,
        %get3A_610 = vector.shape_cast %get3A_609 : vector<1x16xf32> to vector<16xf32>
        %get3A_611 = arith.index_cast %add3A_34 : i32 to index
        %get3A_612 = arith.constant 656 : index
        %get3A_613 = tpu.vector_load %arg9[%get3A_611, %get3A_612] {strides = array<i32>} : memref<32x1024xf32, #tpu.memory_space<vmem>>, vector<1x16xf32>,
        %get3A_614 = vector.shape_cast %get3A_613 : vector<1x16xf32> to vector<16xf32>
        %add3A_615 = arith.addf %get3A_610, %get3A_614 : vector<16xf32>
        %swap3A_616 = arith.index_cast %add3A_34 : i32 to index
        %swap3A_617 = arith.constant 656 : index
        %swap3A_618 = tpu.vector_load %arg8[%swap3A_616, %swap3A_617] {strides = array<i32>} : memref<32x1024xf32, #tpu.memory_space<vmem>>, vector<1x16xf32>,
        %swap3A_619 = vector.shape_cast %swap3A_618 : vector<1x16xf32> to vector<16xf32>
        %swap3A_620 = vector.shape_cast %add3A_615 : vector<16xf32> to vector<1x16xf32>
        tpu.vector_store %arg8[%swap3A_616, %swap3A_617], %swap3A_620 {strides = array<i32>} : memref<32x1024xf32, #tpu.memory_space<vmem>>, vector<1x16xf32>,
        %get3A_621 = arith.index_cast %add3A_34 : i32 to index
        %get3A_622 = arith.constant 672 : index
        %get3A_623 = tpu.vector_load %arg8[%get3A_621, %get3A_622] {strides = array<i32>} : memref<32x1024xf32, #tpu.memory_space<vmem>>, vector<1x16xf32>,
        %get3A_624 = vector.shape_cast %get3A_623 : vector<1x16xf32> to vector<16xf32>
        %get3A_625 = arith.index_cast %add3A_34 : i32 to index
        %get3A_626 = arith.constant 672 : index
        %get3A_627 = tpu.vector_load %arg9[%get3A_625, %get3A_626] {strides = array<i32>} : memref<32x1024xf32, #tpu.memory_space<vmem>>, vector<1x16xf32>,
        %get3A_628 = vector.shape_cast %get3A_627 : vector<1x16xf32> to vector<16xf32>
        %add3A_629 = arith.addf %get3A_624, %get3A_628 : vector<16xf32>
        %swap3A_630 = arith.index_cast %add3A_34 : i32 to index
        %swap3A_631 = arith.constant 672 : index
        %swap3A_632 = tpu.vector_load %arg8[%swap3A_630, %swap3A_631] {strides = array<i32>} : memref<32x1024xf32, #tpu.memory_space<vmem>>, vector<1x16xf32>,
        %swap3A_633 = vector.shape_cast %swap3A_632 : vector<1x16xf32> to vector<16xf32>
        %swap3A_634 = vector.shape_cast %add3A_629 : vector<16xf32> to vector<1x16xf32>
        tpu.vector_store %arg8[%swap3A_630, %swap3A_631], %swap3A_634 {strides = array<i32>} : memref<32x1024xf32, #tpu.memory_space<vmem>>, vector<1x16xf32>,
        %get3A_635 = arith.index_cast %add3A_34 : i32 to index
        %get3A_636 = arith.constant 688 : index
        %get3A_637 = tpu.vector_load %arg8[%get3A_635, %get3A_636] {strides = array<i32>} : memref<32x1024xf32, #tpu.memory_space<vmem>>, vector<1x16xf32>,
        %get3A_638 = vector.shape_cast %get3A_637 : vector<1x16xf32> to vector<16xf32>
        %get3A_639 = arith.index_cast %add3A_34 : i32 to index
        %get3A_640 = arith.constant 688 : index
        %get3A_641 = tpu.vector_load %arg9[%get3A_639, %get3A_640] {strides = array<i32>} : memref<32x1024xf32, #tpu.memory_space<vmem>>, vector<1x16xf32>,
        %get3A_642 = vector.shape_cast %get3A_641 : vector<1x16xf32> to vector<16xf32>
        %add3A_643 = arith.addf %get3A_638, %get3A_642 : vector<16xf32>
        %swap3A_644 = arith.index_cast %add3A_34 : i32 to index
        %swap3A_645 = arith.constant 688 : index
        %swap3A_646 = tpu.vector_load %arg8[%swap3A_644, %swap3A_645] {strides = array<i32>} : memref<32x1024xf32, #tpu.memory_space<vmem>>, vector<1x16xf32>,
        %swap3A_647 = vector.shape_cast %swap3A_646 : vector<1x16xf32> to vector<16xf32>
        %swap3A_648 = vector.shape_cast %add3A_643 : vector<16xf32> to vector<1x16xf32>
        tpu.vector_store %arg8[%swap3A_644, %swap3A_645], %swap3A_648 {strides = array<i32>} : memref<32x1024xf32, #tpu.memory_space<vmem>>, vector<1x16xf32>,
        %get3A_649 = arith.index_cast %add3A_34 : i32 to index
        %get3A_650 = arith.constant 704 : index
        %get3A_651 = tpu.vector_load %arg8[%get3A_649, %get3A_650] {strides = array<i32>} : memref<32x1024xf32, #tpu.memory_space<vmem>>, vector<1x16xf32>,
        %get3A_652 = vector.shape_cast %get3A_651 : vector<1x16xf32> to vector<16xf32>
        %get3A_653 = arith.index_cast %add3A_34 : i32 to index
        %get3A_654 = arith.constant 704 : index
        %get3A_655 = tpu.vector_load %arg9[%get3A_653, %get3A_654] {strides = array<i32>} : memref<32x1024xf32, #tpu.memory_space<vmem>>, vector<1x16xf32>,
        %get3A_656 = vector.shape_cast %get3A_655 : vector<1x16xf32> to vector<16xf32>
        %add3A_657 = arith.addf %get3A_652, %get3A_656 : vector<16xf32>
        %swap3A_658 = arith.index_cast %add3A_34 : i32 to index
        %swap3A_659 = arith.constant 704 : index
        %swap3A_660 = tpu.vector_load %arg8[%swap3A_658, %swap3A_659] {strides = array<i32>} : memref<32x1024xf32, #tpu.memory_space<vmem>>, vector<1x16xf32>,
        %swap3A_661 = vector.shape_cast %swap3A_660 : vector<1x16xf32> to vector<16xf32>
        %swap3A_662 = vector.shape_cast %add3A_657 : vector<16xf32> to vector<1x16xf32>
        tpu.vector_store %arg8[%swap3A_658, %swap3A_659], %swap3A_662 {strides = array<i32>} : memref<32x1024xf32, #tpu.memory_space<vmem>>, vector<1x16xf32>,
        %get3A_663 = arith.index_cast %add3A_34 : i32 to index
        %get3A_664 = arith.constant 720 : index
        %get3A_665 = tpu.vector_load %arg8[%get3A_663, %get3A_664] {strides = array<i32>} : memref<32x1024xf32, #tpu.memory_space<vmem>>, vector<1x16xf32>,
        %get3A_666 = vector.shape_cast %get3A_665 : vector<1x16xf32> to vector<16xf32>
        %get3A_667 = arith.index_cast %add3A_34 : i32 to index
        %get3A_668 = arith.constant 720 : index
        %get3A_669 = tpu.vector_load %arg9[%get3A_667, %get3A_668] {strides = array<i32>} : memref<32x1024xf32, #tpu.memory_space<vmem>>, vector<1x16xf32>,
        %get3A_670 = vector.shape_cast %get3A_669 : vector<1x16xf32> to vector<16xf32>
        %add3A_671 = arith.addf %get3A_666, %get3A_670 : vector<16xf32>
        %swap3A_672 = arith.index_cast %add3A_34 : i32 to index
        %swap3A_673 = arith.constant 720 : index
        %swap3A_674 = tpu.vector_load %arg8[%swap3A_672, %swap3A_673] {strides = array<i32>} : memref<32x1024xf32, #tpu.memory_space<vmem>>, vector<1x16xf32>,
        %swap3A_675 = vector.shape_cast %swap3A_674 : vector<1x16xf32> to vector<16xf32>
        %swap3A_676 = vector.shape_cast %add3A_671 : vector<16xf32> to vector<1x16xf32>
        tpu.vector_store %arg8[%swap3A_672, %swap3A_673], %swap3A_676 {strides = array<i32>} : memref<32x1024xf32, #tpu.memory_space<vmem>>, vector<1x16xf32>,
        %get3A_677 = arith.index_cast %add3A_34 : i32 to index
        %get3A_678 = arith.constant 736 : index
        %get3A_679 = tpu.vector_load %arg8[%get3A_677, %get3A_678] {strides = array<i32>} : memref<32x1024xf32, #tpu.memory_space<vmem>>, vector<1x16xf32>,
        %get3A_680 = vector.shape_cast %get3A_679 : vector<1x16xf32> to vector<16xf32>
        %get3A_681 = arith.index_cast %add3A_34 : i32 to index
        %get3A_682 = arith.constant 736 : index
        %get3A_683 = tpu.vector_load %arg9[%get3A_681, %get3A_682] {strides = array<i32>} : memref<32x1024xf32, #tpu.memory_space<vmem>>, vector<1x16xf32>,
        %get3A_684 = vector.shape_cast %get3A_683 : vector<1x16xf32> to vector<16xf32>
        %add3A_685 = arith.addf %get3A_680, %get3A_684 : vector<16xf32>
        %swap3A_686 = arith.index_cast %add3A_34 : i32 to index
        %swap3A_687 = arith.constant 736 : index
        %swap3A_688 = tpu.vector_load %arg8[%swap3A_686, %swap3A_687] {strides = array<i32>} : memref<32x1024xf32, #tpu.memory_space<vmem>>, vector<1x16xf32>,
        %swap3A_689 = vector.shape_cast %swap3A_688 : vector<1x16xf32> to vector<16xf32>
        %swap3A_690 = vector.shape_cast %add3A_685 : vector<16xf32> to vector<1x16xf32>
        tpu.vector_store %arg8[%swap3A_686, %swap3A_687], %swap3A_690 {strides = array<i32>} : memref<32x1024xf32, #tpu.memory_space<vmem>>, vector<1x16xf32>,
        %get3A_691 = arith.index_cast %add3A_34 : i32 to index
        %get3A_692 = arith.constant 752 : index
        %get3A_693 = tpu.vector_load %arg8[%get3A_691, %get3A_692] {strides = array<i32>} : memref<32x1024xf32, #tpu.memory_space<vmem>>, vector<1x16xf32>,
        %get3A_694 = vector.shape_cast %get3A_693 : vector<1x16xf32> to vector<16xf32>
        %get3A_695 = arith.index_cast %add3A_34 : i32 to index
        %get3A_696 = arith.constant 752 : index
        %get3A_697 = tpu.vector_load %arg9[%get3A_695, %get3A_696] {strides = array<i32>} : memref<32x1024xf32, #tpu.memory_space<vmem>>, vector<1x16xf32>,
        %get3A_698 = vector.shape_cast %get3A_697 : vector<1x16xf32> to vector<16xf32>
        %add3A_699 = arith.addf %get3A_694, %get3A_698 : vector<16xf32>
        %swap3A_700 = arith.index_cast %add3A_34 : i32 to index
        %swap3A_701 = arith.constant 752 : index
        %swap3A_702 = tpu.vector_load %arg8[%swap3A_700, %swap3A_701] {strides = array<i32>} : memref<32x1024xf32, #tpu.memory_space<vmem>>, vector<1x16xf32>,
        %swap3A_703 = vector.shape_cast %swap3A_702 : vector<1x16xf32> to vector<16xf32>
        %swap3A_704 = vector.shape_cast %add3A_699 : vector<16xf32> to vector<1x16xf32>
        tpu.vector_store %arg8[%swap3A_700, %swap3A_701], %swap3A_704 {strides = array<i32>} : memref<32x1024xf32, #tpu.memory_space<vmem>>, vector<1x16xf32>,
        %get3A_705 = arith.index_cast %add3A_34 : i32 to index
        %get3A_706 = arith.constant 768 : index
        %get3A_707 = tpu.vector_load %arg8[%get3A_705, %get3A_706] {strides = array<i32>} : memref<32x1024xf32, #tpu.memory_space<vmem>>, vector<1x16xf32>,
        %get3A_708 = vector.shape_cast %get3A_707 : vector<1x16xf32> to vector<16xf32>
        %get3A_709 = arith.index_cast %add3A_34 : i32 to index
        %get3A_710 = arith.constant 768 : index
        %get3A_711 = tpu.vector_load %arg9[%get3A_709, %get3A_710] {strides = array<i32>} : memref<32x1024xf32, #tpu.memory_space<vmem>>, vector<1x16xf32>,
        %get3A_712 = vector.shape_cast %get3A_711 : vector<1x16xf32> to vector<16xf32>
        %add3A_713 = arith.addf %get3A_708, %get3A_712 : vector<16xf32>
        %swap3A_714 = arith.index_cast %add3A_34 : i32 to index
        %swap3A_715 = arith.constant 768 : index
        %swap3A_716 = tpu.vector_load %arg8[%swap3A_714, %swap3A_715] {strides = array<i32>} : memref<32x1024xf32, #tpu.memory_space<vmem>>, vector<1x16xf32>,
        %swap3A_717 = vector.shape_cast %swap3A_716 : vector<1x16xf32> to vector<16xf32>
        %swap3A_718 = vector.shape_cast %add3A_713 : vector<16xf32> to vector<1x16xf32>
        tpu.vector_store %arg8[%swap3A_714, %swap3A_715], %swap3A_718 {strides = array<i32>} : memref<32x1024xf32, #tpu.memory_space<vmem>>, vector<1x16xf32>,
        %get3A_719 = arith.index_cast %add3A_34 : i32 to index
        %get3A_720 = arith.constant 784 : index
        %get3A_721 = tpu.vector_load %arg8[%get3A_719, %get3A_720] {strides = array<i32>} : memref<32x1024xf32, #tpu.memory_space<vmem>>, vector<1x16xf32>,
        %get3A_722 = vector.shape_cast %get3A_721 : vector<1x16xf32> to vector<16xf32>
        %get3A_723 = arith.index_cast %add3A_34 : i32 to index
        %get3A_724 = arith.constant 784 : index
        %get3A_725 = tpu.vector_load %arg9[%get3A_723, %get3A_724] {strides = array<i32>} : memref<32x1024xf32, #tpu.memory_space<vmem>>, vector<1x16xf32>,
        %get3A_726 = vector.shape_cast %get3A_725 : vector<1x16xf32> to vector<16xf32>
        %add3A_727 = arith.addf %get3A_722, %get3A_726 : vector<16xf32>
        %swap3A_728 = arith.index_cast %add3A_34 : i32 to index
        %swap3A_729 = arith.constant 784 : index
        %swap3A_730 = tpu.vector_load %arg8[%swap3A_728, %swap3A_729] {strides = array<i32>} : memref<32x1024xf32, #tpu.memory_space<vmem>>, vector<1x16xf32>,
        %swap3A_731 = vector.shape_cast %swap3A_730 : vector<1x16xf32> to vector<16xf32>
        %swap3A_732 = vector.shape_cast %add3A_727 : vector<16xf32> to vector<1x16xf32>
        tpu.vector_store %arg8[%swap3A_728, %swap3A_729], %swap3A_732 {strides = array<i32>} : memref<32x1024xf32, #tpu.memory_space<vmem>>, vector<1x16xf32>,
        %get3A_733 = arith.index_cast %add3A_34 : i32 to index
        %get3A_734 = arith.constant 800 : index
        %get3A_735 = tpu.vector_load %arg8[%get3A_733, %get3A_734] {strides = array<i32>} : memref<32x1024xf32, #tpu.memory_space<vmem>>, vector<1x16xf32>,
        %get3A_736 = vector.shape_cast %get3A_735 : vector<1x16xf32> to vector<16xf32>
        %get3A_737 = arith.index_cast %add3A_34 : i32 to index
        %get3A_738 = arith.constant 800 : index
        %get3A_739 = tpu.vector_load %arg9[%get3A_737, %get3A_738] {strides = array<i32>} : memref<32x1024xf32, #tpu.memory_space<vmem>>, vector<1x16xf32>,
        %get3A_740 = vector.shape_cast %get3A_739 : vector<1x16xf32> to vector<16xf32>
        %add3A_741 = arith.addf %get3A_736, %get3A_740 : vector<16xf32>
        %swap3A_742 = arith.index_cast %add3A_34 : i32 to index
        %swap3A_743 = arith.constant 800 : index
        %swap3A_744 = tpu.vector_load %arg8[%swap3A_742, %swap3A_743] {strides = array<i32>} : memref<32x1024xf32, #tpu.memory_space<vmem>>, vector<1x16xf32>,
        %swap3A_745 = vector.shape_cast %swap3A_744 : vector<1x16xf32> to vector<16xf32>
        %swap3A_746 = vector.shape_cast %add3A_741 : vector<16xf32> to vector<1x16xf32>
        tpu.vector_store %arg8[%swap3A_742, %swap3A_743], %swap3A_746 {strides = array<i32>} : memref<32x1024xf32, #tpu.memory_space<vmem>>, vector<1x16xf32>,
        %get3A_747 = arith.index_cast %add3A_34 : i32 to index
        %get3A_748 = arith.constant 816 : index
        %get3A_749 = tpu.vector_load %arg8[%get3A_747, %get3A_748] {strides = array<i32>} : memref<32x1024xf32, #tpu.memory_space<vmem>>, vector<1x16xf32>,
        %get3A_750 = vector.shape_cast %get3A_749 : vector<1x16xf32> to vector<16xf32>
        %get3A_751 = arith.index_cast %add3A_34 : i32 to index
        %get3A_752 = arith.constant 816 : index
        %get3A_753 = tpu.vector_load %arg9[%get3A_751, %get3A_752] {strides = array<i32>} : memref<32x1024xf32, #tpu.memory_space<vmem>>, vector<1x16xf32>,
        %get3A_754 = vector.shape_cast %get3A_753 : vector<1x16xf32> to vector<16xf32>
        %add3A_755 = arith.addf %get3A_750, %get3A_754 : vector<16xf32>
        %swap3A_756 = arith.index_cast %add3A_34 : i32 to index
        %swap3A_757 = arith.constant 816 : index
        %swap3A_758 = tpu.vector_load %arg8[%swap3A_756, %swap3A_757] {strides = array<i32>} : memref<32x1024xf32, #tpu.memory_space<vmem>>, vector<1x16xf32>,
        %swap3A_759 = vector.shape_cast %swap3A_758 : vector<1x16xf32> to vector<16xf32>
        %swap3A_760 = vector.shape_cast %add3A_755 : vector<16xf32> to vector<1x16xf32>
        tpu.vector_store %arg8[%swap3A_756, %swap3A_757], %swap3A_760 {strides = array<i32>} : memref<32x1024xf32, #tpu.memory_space<vmem>>, vector<1x16xf32>,
        %get3A_761 = arith.index_cast %add3A_34 : i32 to index
        %get3A_762 = arith.constant 832 : index
        %get3A_763 = tpu.vector_load %arg8[%get3A_761, %get3A_762] {strides = array<i32>} : memref<32x1024xf32, #tpu.memory_space<vmem>>, vector<1x16xf32>,
        %get3A_764 = vector.shape_cast %get3A_763 : vector<1x16xf32> to vector<16xf32>
        %get3A_765 = arith.index_cast %add3A_34 : i32 to index
        %get3A_766 = arith.constant 832 : index
        %get3A_767 = tpu.vector_load %arg9[%get3A_765, %get3A_766] {strides = array<i32>} : memref<32x1024xf32, #tpu.memory_space<vmem>>, vector<1x16xf32>,
        %get3A_768 = vector.shape_cast %get3A_767 : vector<1x16xf32> to vector<16xf32>
        %add3A_769 = arith.addf %get3A_764, %get3A_768 : vector<16xf32>
        %swap3A_770 = arith.index_cast %add3A_34 : i32 to index
        %swap3A_771 = arith.constant 832 : index
        %swap3A_772 = tpu.vector_load %arg8[%swap3A_770, %swap3A_771] {strides = array<i32>} : memref<32x1024xf32, #tpu.memory_space<vmem>>, vector<1x16xf32>,
        %swap3A_773 = vector.shape_cast %swap3A_772 : vector<1x16xf32> to vector<16xf32>
        %swap3A_774 = vector.shape_cast %add3A_769 : vector<16xf32> to vector<1x16xf32>
        tpu.vector_store %arg8[%swap3A_770, %swap3A_771], %swap3A_774 {strides = array<i32>} : memref<32x1024xf32, #tpu.memory_space<vmem>>, vector<1x16xf32>,
        %get3A_775 = arith.index_cast %add3A_34 : i32 to index
        %get3A_776 = arith.constant 848 : index
        %get3A_777 = tpu.vector_load %arg8[%get3A_775, %get3A_776] {strides = array<i32>} : memref<32x1024xf32, #tpu.memory_space<vmem>>, vector<1x16xf32>,
        %get3A_778 = vector.shape_cast %get3A_777 : vector<1x16xf32> to vector<16xf32>
        %get3A_779 = arith.index_cast %add3A_34 : i32 to index
        %get3A_780 = arith.constant 848 : index
        %get3A_781 = tpu.vector_load %arg9[%get3A_779, %get3A_780] {strides = array<i32>} : memref<32x1024xf32, #tpu.memory_space<vmem>>, vector<1x16xf32>,
        %get3A_782 = vector.shape_cast %get3A_781 : vector<1x16xf32> to vector<16xf32>
        %add3A_783 = arith.addf %get3A_778, %get3A_782 : vector<16xf32>
        %swap3A_784 = arith.index_cast %add3A_34 : i32 to index
        %swap3A_785 = arith.constant 848 : index
        %swap3A_786 = tpu.vector_load %arg8[%swap3A_784, %swap3A_785] {strides = array<i32>} : memref<32x1024xf32, #tpu.memory_space<vmem>>, vector<1x16xf32>,
        %swap3A_787 = vector.shape_cast %swap3A_786 : vector<1x16xf32> to vector<16xf32>
        %swap3A_788 = vector.shape_cast %add3A_783 : vector<16xf32> to vector<1x16xf32>
        tpu.vector_store %arg8[%swap3A_784, %swap3A_785], %swap3A_788 {strides = array<i32>} : memref<32x1024xf32, #tpu.memory_space<vmem>>, vector<1x16xf32>,
        %get3A_789 = arith.index_cast %add3A_34 : i32 to index
        %get3A_790 = arith.constant 864 : index
        %get3A_791 = tpu.vector_load %arg8[%get3A_789, %get3A_790] {strides = array<i32>} : memref<32x1024xf32, #tpu.memory_space<vmem>>, vector<1x16xf32>,
        %get3A_792 = vector.shape_cast %get3A_791 : vector<1x16xf32> to vector<16xf32>
        %get3A_793 = arith.index_cast %add3A_34 : i32 to index
        %get3A_794 = arith.constant 864 : index
        %get3A_795 = tpu.vector_load %arg9[%get3A_793, %get3A_794] {strides = array<i32>} : memref<32x1024xf32, #tpu.memory_space<vmem>>, vector<1x16xf32>,
        %get3A_796 = vector.shape_cast %get3A_795 : vector<1x16xf32> to vector<16xf32>
        %add3A_797 = arith.addf %get3A_792, %get3A_796 : vector<16xf32>
        %swap3A_798 = arith.index_cast %add3A_34 : i32 to index
        %swap3A_799 = arith.constant 864 : index
        %swap3A_800 = tpu.vector_load %arg8[%swap3A_798, %swap3A_799] {strides = array<i32>} : memref<32x1024xf32, #tpu.memory_space<vmem>>, vector<1x16xf32>,
        %swap3A_801 = vector.shape_cast %swap3A_800 : vector<1x16xf32> to vector<16xf32>
        %swap3A_802 = vector.shape_cast %add3A_797 : vector<16xf32> to vector<1x16xf32>
        tpu.vector_store %arg8[%swap3A_798, %swap3A_799], %swap3A_802 {strides = array<i32>} : memref<32x1024xf32, #tpu.memory_space<vmem>>, vector<1x16xf32>,
        %get3A_803 = arith.index_cast %add3A_34 : i32 to index
        %get3A_804 = arith.constant 880 : index
        %get3A_805 = tpu.vector_load %arg8[%get3A_803, %get3A_804] {strides = array<i32>} : memref<32x1024xf32, #tpu.memory_space<vmem>>, vector<1x16xf32>,
        %get3A_806 = vector.shape_cast %get3A_805 : vector<1x16xf32> to vector<16xf32>
        %get3A_807 = arith.index_cast %add3A_34 : i32 to index
        %get3A_808 = arith.constant 880 : index
        %get3A_809 = tpu.vector_load %arg9[%get3A_807, %get3A_808] {strides = array<i32>} : memref<32x1024xf32, #tpu.memory_space<vmem>>, vector<1x16xf32>,
        %get3A_810 = vector.shape_cast %get3A_809 : vector<1x16xf32> to vector<16xf32>
        %add3A_811 = arith.addf %get3A_806, %get3A_810 : vector<16xf32>
        %swap3A_812 = arith.index_cast %add3A_34 : i32 to index
        %swap3A_813 = arith.constant 880 : index
        %swap3A_814 = tpu.vector_load %arg8[%swap3A_812, %swap3A_813] {strides = array<i32>} : memref<32x1024xf32, #tpu.memory_space<vmem>>, vector<1x16xf32>,
        %swap3A_815 = vector.shape_cast %swap3A_814 : vector<1x16xf32> to vector<16xf32>
        %swap3A_816 = vector.shape_cast %add3A_811 : vector<16xf32> to vector<1x16xf32>
        tpu.vector_store %arg8[%swap3A_812, %swap3A_813], %swap3A_816 {strides = array<i32>} : memref<32x1024xf32, #tpu.memory_space<vmem>>, vector<1x16xf32>,
        %get3A_817 = arith.index_cast %add3A_34 : i32 to index
        %get3A_818 = arith.constant 896 : index
        %get3A_819 = tpu.vector_load %arg8[%get3A_817, %get3A_818] {strides = array<i32>} : memref<32x1024xf32, #tpu.memory_space<vmem>>, vector<1x16xf32>,
        %get3A_820 = vector.shape_cast %get3A_819 : vector<1x16xf32> to vector<16xf32>
        %get3A_821 = arith.index_cast %add3A_34 : i32 to index
        %get3A_822 = arith.constant 896 : index
        %get3A_823 = tpu.vector_load %arg9[%get3A_821, %get3A_822] {strides = array<i32>} : memref<32x1024xf32, #tpu.memory_space<vmem>>, vector<1x16xf32>,
        %get3A_824 = vector.shape_cast %get3A_823 : vector<1x16xf32> to vector<16xf32>
        %add3A_825 = arith.addf %get3A_820, %get3A_824 : vector<16xf32>
        %swap3A_826 = arith.index_cast %add3A_34 : i32 to index
        %swap3A_827 = arith.constant 896 : index
        %swap3A_828 = tpu.vector_load %arg8[%swap3A_826, %swap3A_827] {strides = array<i32>} : memref<32x1024xf32, #tpu.memory_space<vmem>>, vector<1x16xf32>,
        %swap3A_829 = vector.shape_cast %swap3A_828 : vector<1x16xf32> to vector<16xf32>
        %swap3A_830 = vector.shape_cast %add3A_825 : vector<16xf32> to vector<1x16xf32>
        tpu.vector_store %arg8[%swap3A_826, %swap3A_827], %swap3A_830 {strides = array<i32>} : memref<32x1024xf32, #tpu.memory_space<vmem>>, vector<1x16xf32>,
        %get3A_831 = arith.index_cast %add3A_34 : i32 to index
        %get3A_832 = arith.constant 912 : index
        %get3A_833 = tpu.vector_load %arg8[%get3A_831, %get3A_832] {strides = array<i32>} : memref<32x1024xf32, #tpu.memory_space<vmem>>, vector<1x16xf32>,
        %get3A_834 = vector.shape_cast %get3A_833 : vector<1x16xf32> to vector<16xf32>
        %get3A_835 = arith.index_cast %add3A_34 : i32 to index
        %get3A_836 = arith.constant 912 : index
        %get3A_837 = tpu.vector_load %arg9[%get3A_835, %get3A_836] {strides = array<i32>} : memref<32x1024xf32, #tpu.memory_space<vmem>>, vector<1x16xf32>,
        %get3A_838 = vector.shape_cast %get3A_837 : vector<1x16xf32> to vector<16xf32>
        %add3A_839 = arith.addf %get3A_834, %get3A_838 : vector<16xf32>
        %swap3A_840 = arith.index_cast %add3A_34 : i32 to index
        %swap3A_841 = arith.constant 912 : index
        %swap3A_842 = tpu.vector_load %arg8[%swap3A_840, %swap3A_841] {strides = array<i32>} : memref<32x1024xf32, #tpu.memory_space<vmem>>, vector<1x16xf32>,
        %swap3A_843 = vector.shape_cast %swap3A_842 : vector<1x16xf32> to vector<16xf32>
        %swap3A_844 = vector.shape_cast %add3A_839 : vector<16xf32> to vector<1x16xf32>
        tpu.vector_store %arg8[%swap3A_840, %swap3A_841], %swap3A_844 {strides = array<i32>} : memref<32x1024xf32, #tpu.memory_space<vmem>>, vector<1x16xf32>,
        %get3A_845 = arith.index_cast %add3A_34 : i32 to index
        %get3A_846 = arith.constant 928 : index
        %get3A_847 = tpu.vector_load %arg8[%get3A_845, %get3A_846] {strides = array<i32>} : memref<32x1024xf32, #tpu.memory_space<vmem>>, vector<1x16xf32>,
        %get3A_848 = vector.shape_cast %get3A_847 : vector<1x16xf32> to vector<16xf32>
        %get3A_849 = arith.index_cast %add3A_34 : i32 to index
        %get3A_850 = arith.constant 928 : index
        %get3A_851 = tpu.vector_load %arg9[%get3A_849, %get3A_850] {strides = array<i32>} : memref<32x1024xf32, #tpu.memory_space<vmem>>, vector<1x16xf32>,
        %get3A_852 = vector.shape_cast %get3A_851 : vector<1x16xf32> to vector<16xf32>
        %add3A_853 = arith.addf %get3A_848, %get3A_852 : vector<16xf32>
        %swap3A_854 = arith.index_cast %add3A_34 : i32 to index
        %swap3A_855 = arith.constant 928 : index
        %swap3A_856 = tpu.vector_load %arg8[%swap3A_854, %swap3A_855] {strides = array<i32>} : memref<32x1024xf32, #tpu.memory_space<vmem>>, vector<1x16xf32>,
        %swap3A_857 = vector.shape_cast %swap3A_856 : vector<1x16xf32> to vector<16xf32>
        %swap3A_858 = vector.shape_cast %add3A_853 : vector<16xf32> to vector<1x16xf32>
        tpu.vector_store %arg8[%swap3A_854, %swap3A_855], %swap3A_858 {strides = array<i32>} : memref<32x1024xf32, #tpu.memory_space<vmem>>, vector<1x16xf32>,
        %get3A_859 = arith.index_cast %add3A_34 : i32 to index
        %get3A_860 = arith.constant 944 : index
        %get3A_861 = tpu.vector_load %arg8[%get3A_859, %get3A_860] {strides = array<i32>} : memref<32x1024xf32, #tpu.memory_space<vmem>>, vector<1x16xf32>,
        %get3A_862 = vector.shape_cast %get3A_861 : vector<1x16xf32> to vector<16xf32>
        %get3A_863 = arith.index_cast %add3A_34 : i32 to index
        %get3A_864 = arith.constant 944 : index
        %get3A_865 = tpu.vector_load %arg9[%get3A_863, %get3A_864] {strides = array<i32>} : memref<32x1024xf32, #tpu.memory_space<vmem>>, vector<1x16xf32>,
        %get3A_866 = vector.shape_cast %get3A_865 : vector<1x16xf32> to vector<16xf32>
        %add3A_867 = arith.addf %get3A_862, %get3A_866 : vector<16xf32>
        %swap3A_868 = arith.index_cast %add3A_34 : i32 to index
        %swap3A_869 = arith.constant 944 : index
        %swap3A_870 = tpu.vector_load %arg8[%swap3A_868, %swap3A_869] {strides = array<i32>} : memref<32x1024xf32, #tpu.memory_space<vmem>>, vector<1x16xf32>,
        %swap3A_871 = vector.shape_cast %swap3A_870 : vector<1x16xf32> to vector<16xf32>
        %swap3A_872 = vector.shape_cast %add3A_867 : vector<16xf32> to vector<1x16xf32>
        tpu.vector_store %arg8[%swap3A_868, %swap3A_869], %swap3A_872 {strides = array<i32>} : memref<32x1024xf32, #tpu.memory_space<vmem>>, vector<1x16xf32>,
        %get3A_873 = arith.index_cast %add3A_34 : i32 to index
        %get3A_874 = arith.constant 960 : index
        %get3A_875 = tpu.vector_load %arg8[%get3A_873, %get3A_874] {strides = array<i32>} : memref<32x1024xf32, #tpu.memory_space<vmem>>, vector<1x16xf32>,
        %get3A_876 = vector.shape_cast %get3A_875 : vector<1x16xf32> to vector<16xf32>
        %get3A_877 = arith.index_cast %add3A_34 : i32 to index
        %get3A_878 = arith.constant 960 : index
        %get3A_879 = tpu.vector_load %arg9[%get3A_877, %get3A_878] {strides = array<i32>} : memref<32x1024xf32, #tpu.memory_space<vmem>>, vector<1x16xf32>,
        %get3A_880 = vector.shape_cast %get3A_879 : vector<1x16xf32> to vector<16xf32>
        %add3A_881 = arith.addf %get3A_876, %get3A_880 : vector<16xf32>
        %swap3A_882 = arith.index_cast %add3A_34 : i32 to index
        %swap3A_883 = arith.constant 960 : index
        %swap3A_884 = tpu.vector_load %arg8[%swap3A_882, %swap3A_883] {strides = array<i32>} : memref<32x1024xf32, #tpu.memory_space<vmem>>, vector<1x16xf32>,
        %swap3A_885 = vector.shape_cast %swap3A_884 : vector<1x16xf32> to vector<16xf32>
        %swap3A_886 = vector.shape_cast %add3A_881 : vector<16xf32> to vector<1x16xf32>
        tpu.vector_store %arg8[%swap3A_882, %swap3A_883], %swap3A_886 {strides = array<i32>} : memref<32x1024xf32, #tpu.memory_space<vmem>>, vector<1x16xf32>,
        %get3A_887 = arith.index_cast %add3A_34 : i32 to index
        %get3A_888 = arith.constant 976 : index
        %get3A_889 = tpu.vector_load %arg8[%get3A_887, %get3A_888] {strides = array<i32>} : memref<32x1024xf32, #tpu.memory_space<vmem>>, vector<1x16xf32>,
        %get3A_890 = vector.shape_cast %get3A_889 : vector<1x16xf32> to vector<16xf32>
        %get3A_891 = arith.index_cast %add3A_34 : i32 to index
        %get3A_892 = arith.constant 976 : index
        %get3A_893 = tpu.vector_load %arg9[%get3A_891, %get3A_892] {strides = array<i32>} : memref<32x1024xf32, #tpu.memory_space<vmem>>, vector<1x16xf32>,
        %get3A_894 = vector.shape_cast %get3A_893 : vector<1x16xf32> to vector<16xf32>
        %add3A_895 = arith.addf %get3A_890, %get3A_894 : vector<16xf32>
        %swap3A_896 = arith.index_cast %add3A_34 : i32 to index
        %swap3A_897 = arith.constant 976 : index
        %swap3A_898 = tpu.vector_load %arg8[%swap3A_896, %swap3A_897] {strides = array<i32>} : memref<32x1024xf32, #tpu.memory_space<vmem>>, vector<1x16xf32>,
        %swap3A_899 = vector.shape_cast %swap3A_898 : vector<1x16xf32> to vector<16xf32>
        %swap3A_900 = vector.shape_cast %add3A_895 : vector<16xf32> to vector<1x16xf32>
        tpu.vector_store %arg8[%swap3A_896, %swap3A_897], %swap3A_900 {strides = array<i32>} : memref<32x1024xf32, #tpu.memory_space<vmem>>, vector<1x16xf32>,
        %get3A_901 = arith.index_cast %add3A_34 : i32 to index
        %get3A_902 = arith.constant 992 : index
        %get3A_903 = tpu.vector_load %arg8[%get3A_901, %get3A_902] {strides = array<i32>} : memref<32x1024xf32, #tpu.memory_space<vmem>>, vector<1x16xf32>,
        %get3A_904 = vector.shape_cast %get3A_903 : vector<1x16xf32> to vector<16xf32>
        %get3A_905 = arith.index_cast %add3A_34 : i32 to index
        %get3A_906 = arith.constant 992 : index
        %get3A_907 = tpu.vector_load %arg9[%get3A_905, %get3A_906] {strides = array<i32>} : memref<32x1024xf32, #tpu.memory_space<vmem>>, vector<1x16xf32>,
        %get3A_908 = vector.shape_cast %get3A_907 : vector<1x16xf32> to vector<16xf32>
        %add3A_909 = arith.addf %get3A_904, %get3A_908 : vector<16xf32>
        %swap3A_910 = arith.index_cast %add3A_34 : i32 to index
        %swap3A_911 = arith.constant 992 : index
        %swap3A_912 = tpu.vector_load %arg8[%swap3A_910, %swap3A_911] {strides = array<i32>} : memref<32x1024xf32, #tpu.memory_space<vmem>>, vector<1x16xf32>,
        %swap3A_913 = vector.shape_cast %swap3A_912 : vector<1x16xf32> to vector<16xf32>
        %swap3A_914 = vector.shape_cast %add3A_909 : vector<16xf32> to vector<1x16xf32>
        tpu.vector_store %arg8[%swap3A_910, %swap3A_911], %swap3A_914 {strides = array<i32>} : memref<32x1024xf32, #tpu.memory_space<vmem>>, vector<1x16xf32>,
        %get3A_915 = arith.index_cast %add3A_34 : i32 to index
        %get3A_916 = arith.constant 1008 : index
        %get3A_917 = tpu.vector_load %arg8[%get3A_915, %get3A_916] {strides = array<i32>} : memref<32x1024xf32, #tpu.memory_space<vmem>>, vector<1x16xf32>,
        %get3A_918 = vector.shape_cast %get3A_917 : vector<1x16xf32> to vector<16xf32>
        %get3A_919 = arith.index_cast %add3A_34 : i32 to index
        %get3A_920 = arith.constant 1008 : index
        %get3A_921 = tpu.vector_load %arg9[%get3A_919, %get3A_920] {strides = array<i32>} : memref<32x1024xf32, #tpu.memory_space<vmem>>, vector<1x16xf32>,
        %get3A_922 = vector.shape_cast %get3A_921 : vector<1x16xf32> to vector<16xf32>
        %add3A_923 = arith.addf %get3A_918, %get3A_922 : vector<16xf32>
        %swap3A_924 = arith.index_cast %add3A_34 : i32 to index
        %swap3A_925 = arith.constant 1008 : index
        %swap3A_926 = tpu.vector_load %arg8[%swap3A_924, %swap3A_925] {strides = array<i32>} : memref<32x1024xf32, #tpu.memory_space<vmem>>, vector<1x16xf32>,
        %swap3A_927 = vector.shape_cast %swap3A_926 : vector<1x16xf32> to vector<16xf32>
        %swap3A_928 = vector.shape_cast %add3A_923 : vector<16xf32> to vector<1x16xf32>
        tpu.vector_store %arg8[%swap3A_924, %swap3A_925], %swap3A_928 {strides = array<i32>} : memref<32x1024xf32, #tpu.memory_space<vmem>>, vector<1x16xf32>,
      }
      %scan3A_28 = arith.constant 32 : i32
      %add3A_29 = arith.addi %mul3A_2, %add3A_11 : i32
      "tpu.region"() ({
        %run_scoped3A = tpu.sem_alloc : memref<!tpu.dma_semaphore, #tpu.memory_space<semaphore_mem>>
        %dma_start3A_30 = arith.constant 0 : i32
        %dma_start3A_31 = tpu.memref_slice %arg5[%add3A_29, %dma_start3A_30] : memref<2048x1024xf32, #tpu.memory_space<hbm>> -> memref<32x1024xf32, #tpu.memory_space<hbm>>
        %dma_start3A_32 = arith.constant 0 : i32
        %dma_start3A_33 = tpu.memref_slice %arg5[%add3A_29, %dma_start3A_32] : memref<2048x1024xf32, #tpu.memory_space<hbm>> -> memref<32x1024xf32, #tpu.memory_space<hbm>>
        tpu.enqueue_dma source(%arg8 : memref<32x1024xf32, #tpu.memory_space<vmem>>) target(%dma_start3A_33 : memref<32x1024xf32, #tpu.memory_space<hbm>>) target_semaphore(%run_scoped3A : memref<!tpu.dma_semaphore, #tpu.memory_space<semaphore_mem>>)
        %dma_wait3A_34 = arith.constant 0 : i32
        %dma_wait3A_35 = tpu.memref_slice %arg5[%add3A_29, %dma_wait3A_34] : memref<2048x1024xf32, #tpu.memory_space<hbm>> -> memref<32x1024xf32, #tpu.memory_space<hbm>>
        %dma_wait3A_36 = arith.constant 0 : i32
        %dma_wait3A_37 = tpu.memref_slice %arg5[%add3A_29, %dma_wait3A_36] : memref<2048x1024xf32, #tpu.memory_space<hbm>> -> memref<32x1024xf32, #tpu.memory_space<hbm>>
        tpu.wait_dma2 semaphore(%run_scoped3A : memref<!tpu.dma_semaphore, #tpu.memory_space<semaphore_mem>>) src(%arg8 : memref<32x1024xf32, #tpu.memory_space<vmem>>) dst(%dma_wait3A_37 : memref<32x1024xf32, #tpu.memory_space<hbm>>)
        tpu.yield
      }) : () -> ()
    }
    %scan3A_6 = arith.constant 2 : i32
    return
  }
}

#map = affine_map<(d0, d1) -> (0, 0)>
#map1 = affine_map<(d0, d1) -> (0)>
module attributes {stable_mosaic.version = 14 : i64} {
  func.func @k(%arg0: i32, %arg1: i32, %arg2: memref<2048x1024xf32, #tpu.memory_space<hbm>>, %arg3: memref<6144xi32, #tpu.memory_space<hbm>>, %arg4: memref<6144x1024xf32, #tpu.memory_space<hbm>>, %arg5: memref<32xi32, #tpu.memory_space<vmem>>, %arg6: memref<32x1024xf32, #tpu.memory_space<vmem>>, %arg7: memref<!tpu.dma_semaphore, #tpu.memory_space<semaphore_mem>>) attributes {dimension_semantics = [#tpu.dimension_semantics<core_parallel>, #tpu.dimension_semantics<subcore_parallel>], iteration_bounds = array<i64: 2, 16>, scalar_prefetch = 0 : i64, scratch_operands = 3 : i64, tpu.core_type = #tpu.core_type<sc_vector_subcore>, window_params = [{transform_indices = #map}, {transform_indices = #map1}, {transform_indices = #map}]} {
    %mul3A = arith.constant 2 : i32
    %mul3A_0 = arith.muli %arg1, %mul3A : i32
    %add3A = arith.addi %mul3A_0, %arg0 : i32
    %mul3A_1 = arith.constant 192 : i32
    %mul3A_2 = arith.muli %add3A, %mul3A_1 : i32
    %scan3A = arith.constant 0 : i32
    %scan3A_3 = arith.constant 6 : i32
    %scan3A_4 = arith.addi %scan3A, %scan3A_3 : i32
    %scan3A_5 = arith.constant 1 : i32
    scf.for %scan3A_7 = %scan3A to %scan3A_4 step %scan3A_5  : i32 {
      %mul3A_8 = arith.constant 32 : i32
      %mul3A_9 = arith.muli %scan3A_7, %mul3A_8 : i32
      %add3A_10 = arith.constant 0 : i32
      %add3A_11 = arith.addi %add3A_10, %mul3A_9 : i32
      %add3A_12 = arith.addi %mul3A_2, %add3A_11 : i32
      "tpu.region"() ({
        %run_scoped3A = tpu.sem_alloc : memref<!tpu.dma_semaphore, #tpu.memory_space<semaphore_mem>>
        %dma_start3A_18 = tpu.memref_slice %arg3[%add3A_12] : memref<6144xi32, #tpu.memory_space<hbm>> -> memref<32xi32, #tpu.memory_space<hbm>>
        %dma_start3A_19 = tpu.memref_slice %arg3[%add3A_12] : memref<6144xi32, #tpu.memory_space<hbm>> -> memref<32xi32, #tpu.memory_space<hbm>>
        tpu.enqueue_dma source(%dma_start3A_19 : memref<32xi32, #tpu.memory_space<hbm>>) target(%arg5 : memref<32xi32, #tpu.memory_space<vmem>>) target_semaphore(%run_scoped3A : memref<!tpu.dma_semaphore, #tpu.memory_space<semaphore_mem>>)
        %dma_wait3A_20 = tpu.memref_slice %arg3[%add3A_12] : memref<6144xi32, #tpu.memory_space<hbm>> -> memref<32xi32, #tpu.memory_space<hbm>>
        %dma_wait3A_21 = tpu.memref_slice %arg3[%add3A_12] : memref<6144xi32, #tpu.memory_space<hbm>> -> memref<32xi32, #tpu.memory_space<hbm>>
        tpu.wait_dma2 semaphore(%run_scoped3A : memref<!tpu.dma_semaphore, #tpu.memory_space<semaphore_mem>>) src(%dma_wait3A_21 : memref<32xi32, #tpu.memory_space<hbm>>) dst(%arg5 : memref<32xi32, #tpu.memory_space<vmem>>)
        tpu.yield
      }) : () -> ()
      %dma_start3A = arith.constant 0 : i32
      %dma_start3A_13 = arith.constant 0 : i32
      %dma_start3A_14 = tpu.memref_slice %arg2[%dma_start3A, %dma_start3A_13] : memref<2048x1024xf32, #tpu.memory_space<hbm>> -> memref<2048x1024xf32, #tpu.memory_space<hbm>>
      tpu.enqueue_indirect_dma source(%dma_start3A_14 : memref<2048x1024xf32, #tpu.memory_space<hbm>>) target(%arg6 : memref<32x1024xf32, #tpu.memory_space<vmem>>) offsets(%arg5 : memref<32xi32, #tpu.memory_space<vmem>>) semaphore(%arg7 : memref<!tpu.dma_semaphore, #tpu.memory_space<semaphore_mem>>)
      %dma_wait3A = arith.constant 0 : i32
      %dma_wait3A_15 = arith.constant 0 : i32
      %dma_wait3A_16 = tpu.memref_slice %arg2[%dma_wait3A, %dma_wait3A_15] : memref<2048x1024xf32, #tpu.memory_space<hbm>> -> memref<2048x1024xf32, #tpu.memory_space<hbm>>
      tpu.wait_indirect_dma semaphore(%arg7 : memref<!tpu.dma_semaphore, #tpu.memory_space<semaphore_mem>>) src(%dma_wait3A_16 : memref<2048x1024xf32, #tpu.memory_space<hbm>>) dst(%arg6 : memref<32x1024xf32, #tpu.memory_space<vmem>>)
      %add3A_17 = arith.addi %mul3A_2, %add3A_11 : i32
      "tpu.region"() ({
        %run_scoped3A = tpu.sem_alloc : memref<!tpu.dma_semaphore, #tpu.memory_space<semaphore_mem>>
        %dma_start3A_18 = arith.constant 0 : i32
        %dma_start3A_19 = tpu.memref_slice %arg4[%add3A_17, %dma_start3A_18] : memref<6144x1024xf32, #tpu.memory_space<hbm>> -> memref<32x1024xf32, #tpu.memory_space<hbm>>
        %dma_start3A_20 = arith.constant 0 : i32
        %dma_start3A_21 = tpu.memref_slice %arg4[%add3A_17, %dma_start3A_20] : memref<6144x1024xf32, #tpu.memory_space<hbm>> -> memref<32x1024xf32, #tpu.memory_space<hbm>>
        tpu.enqueue_dma source(%arg6 : memref<32x1024xf32, #tpu.memory_space<vmem>>) target(%dma_start3A_21 : memref<32x1024xf32, #tpu.memory_space<hbm>>) target_semaphore(%run_scoped3A : memref<!tpu.dma_semaphore, #tpu.memory_space<semaphore_mem>>)
        %dma_wait3A_22 = arith.constant 0 : i32
        %dma_wait3A_23 = tpu.memref_slice %arg4[%add3A_17, %dma_wait3A_22] : memref<6144x1024xf32, #tpu.memory_space<hbm>> -> memref<32x1024xf32, #tpu.memory_space<hbm>>
        %dma_wait3A_24 = arith.constant 0 : i32
        %dma_wait3A_25 = tpu.memref_slice %arg4[%add3A_17, %dma_wait3A_24] : memref<6144x1024xf32, #tpu.memory_space<hbm>> -> memref<32x1024xf32, #tpu.memory_space<hbm>>
        tpu.wait_dma2 semaphore(%run_scoped3A : memref<!tpu.dma_semaphore, #tpu.memory_space<semaphore_mem>>) src(%arg6 : memref<32x1024xf32, #tpu.memory_space<vmem>>) dst(%dma_wait3A_25 : memref<32x1024xf32, #tpu.memory_space<hbm>>)
        tpu.yield
      }) : () -> ()
    }
    %scan3A_6 = arith.constant 6 : i32
    return
  }
}

module attributes {stable_mosaic.version = 14 : i64} {
  func.func @_meta_body(%arg0: memref<2048x8xf32, #tpu.memory_space<vmem>>, %arg1: memref<2048x1xi32, #tpu.memory_space<vmem>>, %arg2: memref<2048x1xi32, #tpu.memory_space<vmem>>, %arg3: memref<2048x1xf32, #tpu.memory_space<vmem>>, %arg4: memref<2048x1xf32, #tpu.memory_space<vmem>>, %arg5: memref<24x1xi32, #tpu.memory_space<vmem>>, %arg6: memref<24x1xi32, #tpu.memory_space<vmem>>) attributes {dimension_semantics = [], scalar_prefetch = 0 : i64, scratch_operands = 0 : i64, tpu.core_type = #tpu.core_type<tc>} {
    %get3A = arith.constant 0 : index
    %get3A_0 = arith.constant 0 : index
    %get3A_1 = vector.load %arg0[%get3A, %get3A_0] : memref<2048x8xf32, #tpu.memory_space<vmem>>, vector<2048x8xf32>
    %iota3A = tpu.iota {dimensions = array<i32: 1>} : vector<2048x8xi32>
    %reduce_max3A = arith.constant dense<0xFF800000> : vector<2048xf32>
    %reduce_max3A_2 = vector.multi_reduction <maximumf>, %get3A_1, %reduce_max3A [1] : vector<2048x8xf32> to vector<2048xf32>
    %broadcast_in_dim3A = vector.shape_cast %reduce_max3A_2 : vector<2048xf32> to vector<2048x1xf32>
    %eq3A = vector.broadcast %broadcast_in_dim3A : vector<2048x1xf32> to vector<2048x8xf32>
    %eq3A_3 = arith.cmpf oeq, %get3A_1, %eq3A : vector<2048x8xf32>
    %jit3A = arith.constant 8 : i32
    %broadcast_in_dim3A_4 = vector.broadcast %jit3A : i32 to vector<2048x8xi32>
    %select_n3A = arith.select %eq3A_3, %iota3A, %broadcast_in_dim3A_4 : vector<2048x8xi1>, vector<2048x8xi32>
    %reduce_min3A = arith.constant dense<2147483647> : vector<2048xi32>
    %reduce_min3A_5 = vector.multi_reduction <minsi>, %select_n3A, %reduce_min3A [1] : vector<2048x8xi32> to vector<2048xi32>
    %broadcast_in_dim3A_6 = vector.shape_cast %reduce_min3A_5 : vector<2048xi32> to vector<2048x1xi32>
    %eq3A_7 = vector.broadcast %broadcast_in_dim3A_6 : vector<2048x1xi32> to vector<2048x8xi32>
    %eq3A_8 = arith.cmpi eq, %iota3A, %eq3A_7 : vector<2048x8xi32>
    %jit3A_9 = arith.constant 0xFF800000 : f32
    %broadcast_in_dim3A_10 = vector.broadcast %jit3A_9 : f32 to vector<2048x8xf32>
    %select_n3A_11 = arith.select %eq3A_8, %broadcast_in_dim3A_10, %get3A_1 : vector<2048x8xi1>, vector<2048x8xf32>
    %reduce_max3A_12 = arith.constant dense<0xFF800000> : vector<2048xf32>
    %reduce_max3A_13 = vector.multi_reduction <maximumf>, %select_n3A_11, %reduce_max3A_12 [1] : vector<2048x8xf32> to vector<2048xf32>
    %broadcast_in_dim3A_14 = vector.shape_cast %reduce_max3A_13 : vector<2048xf32> to vector<2048x1xf32>
    %eq3A_15 = vector.broadcast %broadcast_in_dim3A_14 : vector<2048x1xf32> to vector<2048x8xf32>
    %eq3A_16 = arith.cmpf oeq, %select_n3A_11, %eq3A_15 : vector<2048x8xf32>
    %jit3A_17 = arith.constant 8 : i32
    %broadcast_in_dim3A_18 = vector.broadcast %jit3A_17 : i32 to vector<2048x8xi32>
    %select_n3A_19 = arith.select %eq3A_16, %iota3A, %broadcast_in_dim3A_18 : vector<2048x8xi1>, vector<2048x8xi32>
    %reduce_min3A_20 = arith.constant dense<2147483647> : vector<2048xi32>
    %reduce_min3A_21 = vector.multi_reduction <minsi>, %select_n3A_19, %reduce_min3A_20 [1] : vector<2048x8xi32> to vector<2048xi32>
    %broadcast_in_dim3A_22 = vector.shape_cast %reduce_min3A_21 : vector<2048xi32> to vector<2048x1xi32>
    %eq3A_23 = vector.broadcast %broadcast_in_dim3A_22 : vector<2048x1xi32> to vector<2048x8xi32>
    %eq3A_24 = arith.cmpi eq, %iota3A, %eq3A_23 : vector<2048x8xi32>
    %sub3A = arith.subf %broadcast_in_dim3A, %broadcast_in_dim3A_14 : vector<2048x1xf32>
    %logistic3A = arith.negf %sub3A : vector<2048x1xf32>
    %logistic3A_25 = math.exp %logistic3A : vector<2048x1xf32>
    %logistic3A_26 = arith.constant 1.000000e+00 : f32
    %logistic3A_27 = vector.broadcast %logistic3A_26 : f32 to vector<2048x1xf32>
    %logistic3A_28 = arith.addf %logistic3A_27, %logistic3A_25 : vector<2048x1xf32>
    %logistic3A_29 = arith.divf %logistic3A_27, %logistic3A_28 : vector<2048x1xf32>
    %or3A = arith.ori %eq3A_8, %eq3A_24 : vector<2048x8xi1>
    %convert_element_type3A = arith.extui %or3A : vector<2048x8xi1> to vector<2048x8xi32>
    %iota3A_30 = tpu.iota {dimensions = array<i32: 0>} : vector<2048x2048xi32>
    %iota3A_31 = tpu.iota {dimensions = array<i32: 1>} : vector<2048x2048xi32>
    %le3A = arith.cmpi sle, %iota3A_31, %iota3A_30 : vector<2048x2048xi32>
    %convert_element_type3A_32 = arith.extui %le3A : vector<2048x2048xi1> to vector<2048x2048xi32>
    %convert_element_type3A_33 = arith.sitofp %convert_element_type3A_32 : vector<2048x2048xi32> to vector<2048x2048xf32>
    %convert_element_type3A_34 = arith.truncf %convert_element_type3A_33 : vector<2048x2048xf32> to vector<2048x2048xbf16>
    %convert_element_type3A_35 = arith.sitofp %convert_element_type3A : vector<2048x8xi32> to vector<2048x8xbf16>
    %dot_general3A = arith.constant dense<0.000000e+00> : vector<2048x8xf32>
    %dot_general3A_36 = tpu.matmul %convert_element_type3A_34, %convert_element_type3A_35, %dot_general3A {dimension_numbers = #tpu.dot_dimension_numbers<[1], [0], [0], [1], [0, 0, 1, 1], [], []>, transpose_lhs_hint = false} : vector<2048x2048xbf16>, vector<2048x8xbf16>, vector<2048x8xf32> -> vector<2048x8xf32>
    %convert_element_type3A_37 = arith.fptosi %dot_general3A_36 : vector<2048x8xf32> to vector<2048x8xi32>
    %sub3A_38 = arith.subi %convert_element_type3A_37, %convert_element_type3A : vector<2048x8xi32>
    %slice3A = vector.extract_strided_slice %convert_element_type3A_37 {offsets = [2047, 0], sizes = [1, 8], strides = [1, 1]} : vector<2048x8xi32> to vector<1x8xi32>
    %add3A = arith.constant 256 : i32
    %add3A_39 = vector.broadcast %add3A : i32 to vector<1x8xi32>
    %add3A_40 = arith.addi %slice3A, %add3A_39 : vector<1x8xi32>
    %sub3A_41 = arith.constant 1 : i32
    %sub3A_42 = vector.broadcast %sub3A_41 : i32 to vector<1x8xi32>
    %sub3A_43 = arith.subi %add3A_40, %sub3A_42 : vector<1x8xi32>
    %jit3A_44 = arith.constant 256 : i32
    %div3A = vector.broadcast %jit3A_44 : i32 to vector<1x8xi32>
    %div3A_45 = arith.divsi %sub3A_43, %div3A : vector<1x8xi32>
    %sign3A = arith.constant 0 : i32
    %sign3A_46 = vector.broadcast %sign3A : i32 to vector<1x8xi32>
    %sign3A_47 = arith.cmpi sgt, %sub3A_43, %sign3A_46 : vector<1x8xi32>
    %sign3A_48 = arith.extui %sign3A_47 : vector<1x8xi1> to vector<1x8xi32>
    %sign3A_49 = arith.constant 0 : i32
    %sign3A_50 = vector.broadcast %sign3A_49 : i32 to vector<1x8xi32>
    %sign3A_51 = arith.cmpi slt, %sub3A_43, %sign3A_50 : vector<1x8xi32>
    %sign3A_52 = arith.extui %sign3A_51 : vector<1x8xi1> to vector<1x8xi32>
    %sign3A_53 = arith.subi %sign3A_48, %sign3A_52 : vector<1x8xi32>
    %sign3A_54 = arith.constant 0 : i32
    %sign3A_55 = arith.cmpi sgt, %jit3A_44, %sign3A_54 : i32
    %sign3A_56 = arith.extui %sign3A_55 : i1 to i32
    %sign3A_57 = arith.constant 0 : i32
    %sign3A_58 = arith.cmpi slt, %jit3A_44, %sign3A_57 : i32
    %sign3A_59 = arith.extui %sign3A_58 : i1 to i32
    %sign3A_60 = arith.subi %sign3A_56, %sign3A_59 : i32
    %ne3A = vector.broadcast %sign3A_60 : i32 to vector<1x8xi32>
    %ne3A_61 = arith.cmpi ne, %sign3A_53, %ne3A : vector<1x8xi32>
    %rem3A = vector.broadcast %jit3A_44 : i32 to vector<1x8xi32>
    %rem3A_62 = arith.remsi %sub3A_43, %rem3A : vector<1x8xi32>
    %ne3A_63 = arith.constant 0 : i32
    %ne3A_64 = vector.broadcast %ne3A_63 : i32 to vector<1x8xi32>
    %ne3A_65 = arith.cmpi ne, %rem3A_62, %ne3A_64 : vector<1x8xi32>
    %and3A = arith.andi %ne3A_61, %ne3A_65 : vector<1x8xi1>
    %sub3A_66 = arith.constant 1 : i32
    %sub3A_67 = vector.broadcast %sub3A_66 : i32 to vector<1x8xi32>
    %sub3A_68 = arith.subi %div3A_45, %sub3A_67 : vector<1x8xi32>
    %select_n3A_69 = arith.select %and3A, %sub3A_68, %div3A_45 : vector<1x8xi1>, vector<1x8xi32>
    %mul3A = arith.constant 256 : i32
    %mul3A_70 = vector.broadcast %mul3A : i32 to vector<1x8xi32>
    %mul3A_71 = arith.muli %select_n3A_69, %mul3A_70 : vector<1x8xi32>
    %iota3A_72 = tpu.iota {dimensions = array<i32: 0>} : vector<8x8xi32>
    %iota3A_73 = tpu.iota {dimensions = array<i32: 1>} : vector<8x8xi32>
    %le3A_74 = arith.cmpi sle, %iota3A_72, %iota3A_73 : vector<8x8xi32>
    %convert_element_type3A_75 = arith.extui %le3A_74 : vector<8x8xi1> to vector<8x8xi32>
    %convert_element_type3A_76 = arith.sitofp %convert_element_type3A_75 : vector<8x8xi32> to vector<8x8xf32>
    %convert_element_type3A_77 = arith.truncf %convert_element_type3A_76 : vector<8x8xf32> to vector<8x8xbf16>
    %convert_element_type3A_78 = arith.sitofp %mul3A_71 : vector<1x8xi32> to vector<1x8xbf16>
    %dot_general3A_79 = arith.constant dense<0.000000e+00> : vector<1x8xf32>
    %dot_general3A_80 = tpu.matmul %convert_element_type3A_78, %convert_element_type3A_77, %dot_general3A_79 {dimension_numbers = #tpu.dot_dimension_numbers<[1], [0], [0], [1], [0, 0, 1, 1], [], []>, transpose_lhs_hint = false} : vector<1x8xbf16>, vector<8x8xbf16>, vector<1x8xf32> -> vector<1x8xf32>
    %convert_element_type3A_81 = arith.fptosi %dot_general3A_80 : vector<1x8xf32> to vector<1x8xi32>
    %sub3A_82 = arith.subi %convert_element_type3A_81, %mul3A_71 : vector<1x8xi32>
    %add3A_83 = vector.broadcast %sub3A_82 : vector<1x8xi32> to vector<2048x8xi32>
    %add3A_84 = arith.addi %add3A_83, %sub3A_38 : vector<2048x8xi32>
    %jit3A_85 = arith.constant 0 : i32
    %broadcast_in_dim3A_86 = vector.broadcast %jit3A_85 : i32 to vector<2048x8xi32>
    %select_n3A_87 = arith.select %eq3A_8, %add3A_84, %broadcast_in_dim3A_86 : vector<2048x8xi1>, vector<2048x8xi32>
    %reduce_sum3A = arith.constant dense<0> : vector<2048xi32>
    %reduce_sum3A_88 = vector.multi_reduction <add>, %select_n3A_87, %reduce_sum3A [1] : vector<2048x8xi32> to vector<2048xi32>
    %broadcast_in_dim3A_89 = vector.shape_cast %reduce_sum3A_88 : vector<2048xi32> to vector<2048x1xi32>
    %swap3A = arith.constant 0 : index
    %swap3A_90 = arith.constant 0 : index
    %swap3A_91 = vector.load %arg1[%swap3A, %swap3A_90] : memref<2048x1xi32, #tpu.memory_space<vmem>>, vector<2048x1xi32>
    tpu.vector_store %arg1[%swap3A, %swap3A_90], %broadcast_in_dim3A_89 {strides = array<i32>} : memref<2048x1xi32, #tpu.memory_space<vmem>>, vector<2048x1xi32>,
    %jit3A_92 = arith.constant 0 : i32
    %broadcast_in_dim3A_93 = vector.broadcast %jit3A_92 : i32 to vector<2048x8xi32>
    %select_n3A_94 = arith.select %eq3A_24, %add3A_84, %broadcast_in_dim3A_93 : vector<2048x8xi1>, vector<2048x8xi32>
    %reduce_sum3A_95 = arith.constant dense<0> : vector<2048xi32>
    %reduce_sum3A_96 = vector.multi_reduction <add>, %select_n3A_94, %reduce_sum3A_95 [1] : vector<2048x8xi32> to vector<2048xi32>
    %broadcast_in_dim3A_97 = vector.shape_cast %reduce_sum3A_96 : vector<2048xi32> to vector<2048x1xi32>
    %swap3A_98 = arith.constant 0 : index
    %swap3A_99 = arith.constant 0 : index
    %swap3A_100 = vector.load %arg2[%swap3A_98, %swap3A_99] : memref<2048x1xi32, #tpu.memory_space<vmem>>, vector<2048x1xi32>
    tpu.vector_store %arg2[%swap3A_98, %swap3A_99], %broadcast_in_dim3A_97 {strides = array<i32>} : memref<2048x1xi32, #tpu.memory_space<vmem>>, vector<2048x1xi32>,
    %swap3A_101 = arith.constant 0 : index
    %swap3A_102 = arith.constant 0 : index
    %swap3A_103 = vector.load %arg3[%swap3A_101, %swap3A_102] : memref<2048x1xf32, #tpu.memory_space<vmem>>, vector<2048x1xf32>
    tpu.vector_store %arg3[%swap3A_101, %swap3A_102], %logistic3A_29 {strides = array<i32>} : memref<2048x1xf32, #tpu.memory_space<vmem>>, vector<2048x1xf32>,
    %sub3A_104 = arith.constant 1.000000e+00 : f32
    %sub3A_105 = vector.broadcast %sub3A_104 : f32 to vector<2048x1xf32>
    %sub3A_106 = arith.subf %sub3A_105, %logistic3A_29 : vector<2048x1xf32>
    %swap3A_107 = arith.constant 0 : index
    %swap3A_108 = arith.constant 0 : index
    %swap3A_109 = vector.load %arg4[%swap3A_107, %swap3A_108] : memref<2048x1xf32, #tpu.memory_space<vmem>>, vector<2048x1xf32>
    tpu.vector_store %arg4[%swap3A_107, %swap3A_108], %sub3A_106 {strides = array<i32>} : memref<2048x1xf32, #tpu.memory_space<vmem>>, vector<2048x1xf32>,
    %iota3A_110 = tpu.iota {dimensions = array<i32: 0>} : vector<24x8xi32>
    %mul3A_111 = arith.constant 256 : i32
    %mul3A_112 = vector.broadcast %mul3A_111 : i32 to vector<24x8xi32>
    %mul3A_113 = arith.muli %iota3A_110, %mul3A_112 : vector<24x8xi32>
    %broadcast_in_dim3A_114 = vector.shape_cast %convert_element_type3A_81 : vector<1x8xi32> to vector<1x8xi32>
    %broadcast_in_dim3A_115 = vector.broadcast %broadcast_in_dim3A_114 : vector<1x8xi32> to vector<24x8xi32>
    %ge3A = arith.cmpi sge, %mul3A_113, %broadcast_in_dim3A_115 : vector<24x8xi32>
    %convert_element_type3A_116 = arith.extui %ge3A : vector<24x8xi1> to vector<24x8xi32>
    %reduce_sum3A_117 = arith.constant dense<0> : vector<24xi32>
    %reduce_sum3A_118 = vector.multi_reduction <add>, %convert_element_type3A_116, %reduce_sum3A_117 [1] : vector<24x8xi32> to vector<24xi32>
    %broadcast_in_dim3A_119 = vector.shape_cast %reduce_sum3A_118 : vector<24xi32> to vector<24x1xi32>
    %min3A = arith.constant 7 : i32
    %min3A_120 = vector.broadcast %min3A : i32 to vector<24x1xi32>
    %min3A_121 = arith.minsi %broadcast_in_dim3A_119, %min3A_120 : vector<24x1xi32>
    %swap3A_122 = arith.constant 0 : index
    %swap3A_123 = arith.constant 0 : index
    %swap3A_124 = vector.load %arg5[%swap3A_122, %swap3A_123] : memref<24x1xi32, #tpu.memory_space<vmem>>, vector<24x1xi32>
    tpu.vector_store %arg5[%swap3A_122, %swap3A_123], %min3A_121 {strides = array<i32>} : memref<24x1xi32, #tpu.memory_space<vmem>>, vector<24x1xi32>,
    %slice3A_125 = vector.extract_strided_slice %mul3A_113 {offsets = [0, 0], sizes = [24, 1], strides = [1, 1]} : vector<24x8xi32> to vector<24x1xi32>
    %slice3A_126 = vector.extract_strided_slice %broadcast_in_dim3A_115 {offsets = [0, 7], sizes = [24, 1], strides = [1, 1]} : vector<24x8xi32> to vector<24x1xi32>
    %lt3A = arith.cmpi slt, %slice3A_125, %slice3A_126 : vector<24x1xi32>
    %convert_element_type3A_127 = arith.extui %lt3A : vector<24x1xi1> to vector<24x1xi32>
    %swap3A_128 = arith.constant 0 : index
    %swap3A_129 = arith.constant 0 : index
    %swap3A_130 = vector.load %arg6[%swap3A_128, %swap3A_129] : memref<24x1xi32, #tpu.memory_space<vmem>>, vector<24x1xi32>
    tpu.vector_store %arg6[%swap3A_128, %swap3A_129], %convert_element_type3A_127 {strides = array<i32>} : memref<24x1xi32, #tpu.memory_space<vmem>>, vector<24x1xi32>,
    return
  }
}

module attributes {stable_mosaic.version = 14 : i64} {
  func.func @_gateup_body(%arg0: i32, %arg1: i32, %arg2: memref<24xi32, #tpu.memory_space<smem>>, %arg3: memref<24xi32, #tpu.memory_space<smem>>, %arg4: memref<256x1024xf32, #tpu.memory_space<vmem>>, %arg5: memref<256x1xf32, #tpu.memory_space<vmem>>, %arg6: memref<1x1408x1024xf32, #tpu.memory_space<vmem>>, %arg7: memref<1x1408x1024xf32, #tpu.memory_space<vmem>>, %arg8: memref<256x1408xbf16, #tpu.memory_space<vmem>>) attributes {dimension_semantics = [#tpu.dimension_semantics<arbitrary>, #tpu.dimension_semantics<arbitrary>], iteration_bounds = array<i64: 2, 24>, scalar_prefetch = 2 : i64, scratch_operands = 0 : i64, tpu.core_type = #tpu.core_type<tc>, window_params = [{transform_indices = @transform_0, window_bounds = array<i64: 256, 1024>}, {transform_indices = @transform_1, window_bounds = array<i64: 256, 1>}, {transform_indices = @transform_2, window_bounds = array<i64: 1, 1408, 1024>}, {transform_indices = @transform_3, window_bounds = array<i64: 1, 1408, 1024>}, {transform_indices = @transform_4, window_bounds = array<i64: 256, 1408>}]} {
    %get3A = arith.index_cast %arg1 : i32 to index
    %get3A_0 = memref.load %arg3[%get3A] : memref<24xi32, #tpu.memory_space<smem>>
    %eq3A = arith.constant 1 : i32
    %eq3A_1 = arith.cmpi eq, %get3A_0, %eq3A : i32
    %convert_element_type3A = arith.extui %eq3A_1 : i1 to i32
    %cond3A = arith.constant 0 : i32
    %cond3A_2 = arith.cmpi ne, %convert_element_type3A, %cond3A : i32
    scf.if %cond3A_2 {
      %get3A_3 = arith.constant 0 : index
      %get3A_4 = arith.constant 0 : index
      %get3A_5 = vector.load %arg4[%get3A_3, %get3A_4] : memref<256x1024xf32, #tpu.memory_space<vmem>>, vector<256x1024xf32>
      %get3A_6 = arith.constant 0 : index
      %get3A_7 = arith.constant 0 : index
      %get3A_8 = arith.constant 0 : index
      %get3A_9 = vector.load %arg6[%get3A_6, %get3A_7, %get3A_8] : memref<1x1408x1024xf32, #tpu.memory_space<vmem>>, vector<1x1408x1024xf32>
      %get3A_10 = vector.shape_cast %get3A_9 : vector<1x1408x1024xf32> to vector<1408x1024xf32>
      %dot_general3A = arith.constant dense<0.000000e+00> : vector<256x1408xf32>
      %dot_general3A_11 = tpu.matmul %get3A_5, %get3A_10, %dot_general3A {dimension_numbers = #tpu.dot_dimension_numbers<[1], [1], [0], [0], [0, 0, 1, 0], [], []>, transpose_lhs_hint = false} : vector<256x1024xf32>, vector<1408x1024xf32>, vector<256x1408xf32> -> vector<256x1408xf32>
      %get3A_12 = arith.constant 0 : index
      %get3A_13 = arith.constant 0 : index
      %get3A_14 = arith.constant 0 : index
      %get3A_15 = vector.load %arg7[%get3A_12, %get3A_13, %get3A_14] : memref<1x1408x1024xf32, #tpu.memory_space<vmem>>, vector<1x1408x1024xf32>
      %get3A_16 = vector.shape_cast %get3A_15 : vector<1x1408x1024xf32> to vector<1408x1024xf32>
      %dot_general3A_17 = arith.constant dense<0.000000e+00> : vector<256x1408xf32>
      %dot_general3A_18 = tpu.matmul %get3A_5, %get3A_16, %dot_general3A_17 {dimension_numbers = #tpu.dot_dimension_numbers<[1], [1], [0], [0], [0, 0, 1, 0], [], []>, transpose_lhs_hint = false} : vector<256x1024xf32>, vector<1408x1024xf32>, vector<256x1408xf32> -> vector<256x1408xf32>
      %logistic3A = arith.negf %dot_general3A_11 : vector<256x1408xf32>
      %logistic3A_19 = math.exp %logistic3A : vector<256x1408xf32>
      %logistic3A_20 = arith.constant 1.000000e+00 : f32
      %logistic3A_21 = vector.broadcast %logistic3A_20 : f32 to vector<256x1408xf32>
      %logistic3A_22 = arith.addf %logistic3A_21, %logistic3A_19 : vector<256x1408xf32>
      %logistic3A_23 = arith.divf %logistic3A_21, %logistic3A_22 : vector<256x1408xf32>
      %mul3A = arith.mulf %dot_general3A_11, %logistic3A_23 : vector<256x1408xf32>
      %mul3A_24 = arith.mulf %mul3A, %dot_general3A_18 : vector<256x1408xf32>
      %get3A_25 = arith.constant 0 : index
      %get3A_26 = arith.constant 0 : index
      %get3A_27 = vector.load %arg5[%get3A_25, %get3A_26] : memref<256x1xf32, #tpu.memory_space<vmem>>, vector<256x1xf32>
      %mul3A_28 = vector.broadcast %get3A_27 : vector<256x1xf32> to vector<256x1408xf32>
      %mul3A_29 = arith.mulf %mul3A_24, %mul3A_28 : vector<256x1408xf32>
      %convert_element_type3A_30 = arith.truncf %mul3A_29 : vector<256x1408xf32> to vector<256x1408xbf16>
      %swap3A = arith.constant 0 : index
      %swap3A_31 = arith.constant 0 : index
      %swap3A_32 = vector.load %arg8[%swap3A, %swap3A_31] : memref<256x1408xbf16, #tpu.memory_space<vmem>>, vector<256x1408xbf16>
      tpu.vector_store %arg8[%swap3A, %swap3A_31], %convert_element_type3A_30 {strides = array<i32>} : memref<256x1408xbf16, #tpu.memory_space<vmem>>, vector<256x1408xbf16>,
    } else {
    }
    return
  }
  func.func @transform_0(%arg0: i32, %arg1: i32, %arg2: memref<24xi32, #tpu.memory_space<smem>>, %arg3: memref<24xi32, #tpu.memory_space<smem>>) -> (i32, i32) {
    %c0_i32 = arith.constant 0 : i32
    %c0_i32_0 = arith.constant 0 : i32
    return %arg1, %c0_i32 : i32, i32
  }
  func.func @transform_1(%arg0: i32, %arg1: i32, %arg2: memref<24xi32, #tpu.memory_space<smem>>, %arg3: memref<24xi32, #tpu.memory_space<smem>>) -> (i32, i32) {
    %c0_i32 = arith.constant 0 : i32
    %c0_i32_0 = arith.constant 0 : i32
    return %arg1, %c0_i32 : i32, i32
  }
  func.func @transform_2(%arg0: i32, %arg1: i32, %arg2: memref<24xi32, #tpu.memory_space<smem>>, %arg3: memref<24xi32, #tpu.memory_space<smem>>) -> (i32, i32, i32) {
    %get3A = arith.index_cast %arg1 : i32 to index
    %get3A_0 = memref.load %arg2[%get3A] : memref<24xi32, #tpu.memory_space<smem>>
    %c0_i32 = arith.constant 0 : i32
    %c0_i32_1 = arith.constant 0 : i32
    return %get3A_0, %arg0, %c0_i32 : i32, i32, i32
  }
  func.func @transform_3(%arg0: i32, %arg1: i32, %arg2: memref<24xi32, #tpu.memory_space<smem>>, %arg3: memref<24xi32, #tpu.memory_space<smem>>) -> (i32, i32, i32) {
    %get3A = arith.index_cast %arg1 : i32 to index
    %get3A_0 = memref.load %arg2[%get3A] : memref<24xi32, #tpu.memory_space<smem>>
    %c0_i32 = arith.constant 0 : i32
    %c0_i32_1 = arith.constant 0 : i32
    return %get3A_0, %arg0, %c0_i32 : i32, i32, i32
  }
  func.func @transform_4(%arg0: i32, %arg1: i32, %arg2: memref<24xi32, #tpu.memory_space<smem>>, %arg3: memref<24xi32, #tpu.memory_space<smem>>) -> (i32, i32) {
    %c0_i32 = arith.constant 0 : i32
    return %arg1, %arg0 : i32, i32
  }
}

module attributes {stable_mosaic.version = 14 : i64} {
  func.func @_down_body(%arg0: i32, %arg1: memref<24xi32, #tpu.memory_space<smem>>, %arg2: memref<24xi32, #tpu.memory_space<smem>>, %arg3: memref<256x2816xbf16, #tpu.memory_space<vmem>>, %arg4: memref<1x1024x2816xf32, #tpu.memory_space<vmem>>, %arg5: memref<256x1024xf32, #tpu.memory_space<vmem>>) attributes {dimension_semantics = [#tpu.dimension_semantics<arbitrary>], iteration_bounds = array<i64: 24>, scalar_prefetch = 2 : i64, scratch_operands = 0 : i64, tpu.core_type = #tpu.core_type<tc>, window_params = [{transform_indices = @transform_0, window_bounds = array<i64: 256, 2816>}, {transform_indices = @transform_1, window_bounds = array<i64: 1, 1024, 2816>}, {transform_indices = @transform_2, window_bounds = array<i64: 256, 1024>}]} {
    %get3A = arith.index_cast %arg0 : i32 to index
    %get3A_0 = memref.load %arg2[%get3A] : memref<24xi32, #tpu.memory_space<smem>>
    %eq3A = arith.constant 1 : i32
    %eq3A_1 = arith.cmpi eq, %get3A_0, %eq3A : i32
    %convert_element_type3A = arith.extui %eq3A_1 : i1 to i32
    %cond3A = arith.constant 0 : i32
    %cond3A_2 = arith.cmpi ne, %convert_element_type3A, %cond3A : i32
    scf.if %cond3A_2 {
      %get3A_3 = arith.constant 0 : index
      %get3A_4 = arith.constant 0 : index
      %get3A_5 = vector.load %arg3[%get3A_3, %get3A_4] : memref<256x2816xbf16, #tpu.memory_space<vmem>>, vector<256x2816xbf16>
      %convert_element_type3A_6 = arith.extf %get3A_5 : vector<256x2816xbf16> to vector<256x2816xf32>
      %get3A_7 = arith.constant 0 : index
      %get3A_8 = arith.constant 0 : index
      %get3A_9 = arith.constant 0 : index
      %get3A_10 = vector.load %arg4[%get3A_7, %get3A_8, %get3A_9] : memref<1x1024x2816xf32, #tpu.memory_space<vmem>>, vector<1x1024x2816xf32>
      %get3A_11 = vector.shape_cast %get3A_10 : vector<1x1024x2816xf32> to vector<1024x2816xf32>
      %dot_general3A = arith.constant dense<0.000000e+00> : vector<256x1024xf32>
      %dot_general3A_12 = tpu.matmul %convert_element_type3A_6, %get3A_11, %dot_general3A {dimension_numbers = #tpu.dot_dimension_numbers<[1], [1], [0], [0], [0, 0, 1, 0], [], []>, transpose_lhs_hint = false} : vector<256x2816xf32>, vector<1024x2816xf32>, vector<256x1024xf32> -> vector<256x1024xf32>
      %swap3A = arith.constant 0 : index
      %swap3A_13 = arith.constant 0 : index
      %swap3A_14 = vector.load %arg5[%swap3A, %swap3A_13] : memref<256x1024xf32, #tpu.memory_space<vmem>>, vector<256x1024xf32>
      tpu.vector_store %arg5[%swap3A, %swap3A_13], %dot_general3A_12 {strides = array<i32>} : memref<256x1024xf32, #tpu.memory_space<vmem>>, vector<256x1024xf32>,
    } else {
    }
    return
  }
  func.func @transform_0(%arg0: i32, %arg1: memref<24xi32, #tpu.memory_space<smem>>, %arg2: memref<24xi32, #tpu.memory_space<smem>>) -> (i32, i32) {
    %c0_i32 = arith.constant 0 : i32
    %c0_i32_0 = arith.constant 0 : i32
    return %arg0, %c0_i32 : i32, i32
  }
  func.func @transform_1(%arg0: i32, %arg1: memref<24xi32, #tpu.memory_space<smem>>, %arg2: memref<24xi32, #tpu.memory_space<smem>>) -> (i32, i32, i32) {
    %get3A = arith.index_cast %arg0 : i32 to index
    %get3A_0 = memref.load %arg1[%get3A] : memref<24xi32, #tpu.memory_space<smem>>
    %c0_i32 = arith.constant 0 : i32
    %c0_i32_1 = arith.constant 0 : i32
    %c0_i32_2 = arith.constant 0 : i32
    return %get3A_0, %c0_i32, %c0_i32_1 : i32, i32, i32
  }
  func.func @transform_2(%arg0: i32, %arg1: memref<24xi32, #tpu.memory_space<smem>>, %arg2: memref<24xi32, #tpu.memory_space<smem>>) -> (i32, i32) {
    %c0_i32 = arith.constant 0 : i32
    %c0_i32_0 = arith.constant 0 : i32
    return %arg0, %c0_i32 : i32, i32
  }
}

</mosaic_0001>

<sc_bundles>
// kernel: kernel.10.cloned.1.call-start
scs
__scs_entry_jumppad:
0x0: {  	(pc) =	sbr.rel $0x88, $3  }
0x1: {  	(tag) =	ssettag $0x0;
	lr =	simm.s32 $0x1  }
0x2: {  	[smem:$0x3F9C] =	sst lr;
	_ =	strace $0xD0000000  }
0x3: {  	_ = 	snop  }
0x4: {  	_ = 	snop  }
0x5: {  	_ = 	snop  }
0x6: {  	_ = 	snop  }
0x7: {  	_ = 	snop  }
__scs_overlays_trampoline_lowered:
0x8: {  	[smem:$0x3FAB] =	sst s0  }
0x9: {  	[smem:$0x3FAC] =	sst s1  }
0xa: {  	[smem:$0x3FAD] =	sst s2  }
0xb: {  	[smem:$0x3FAE] =	sst s3  }
0xc: {  	[smem:$0x3FAF] =	sst s4  }
0xd: {  	[smem:$0x3FB0] =	sst s5  }
0xe: {  	[smem:$0x3FB1] =	sst s6  }
0xf: {  	[smem:$0x3FB2] =	sst s7  }
0x10: {  	[smem:$0x3FB3] =	sst s8  }
0x11: {  	[smem:$0x3FB4] =	sst s9;
	s0 =	simm.s32 @!p0 $0x0  }
0x12: {  	s1 =	sld [smem:$0x3F9A];
	s0 =	simm.s32 @p0 $0x1  }
0x13: {  	[smem:$0x3FB5] =	sst s0;
	s0 =	simm.s32 @!p1 $0x0  }
0x14: {  	s2 =	sld [smem:$0x3F99];
	s0 =	simm.s32 @p1 $0x1  }
0x15: {  	[smem:$0x3FB6] =	sst s0;
	s0 =	simm.s32 @!p2 $0x0  }
0x16: {  	s3 =	sld [smem:$0x3FDB];
	s0 =	simm.s32 @p2 $0x1  }
0x17: {  	s4 =	simm.s32 $0x1BF5;
	[smem:$0x3FB8] =	sst s0  }
0x18: {  	s0 =	sld [smem:$0x3F9B];
	_ =	swait.ge [sflag:s4], $0x0  }
0x19: {  	s7 =	sld [smem:$0x3F9C]  }
0x1a: {  	s8 =	sadd.s32 $0xFFFFE003, lr  }
0x1b: {  	s9 =	sadd.s32 $0xFFFFFEF7, lr;
	s5 =	simm.s32 $0xFFFFFFFF;
	p2 =	slt.u32 s8, $0xFFFFF086  }
0x1c: {  	p1 =	slt.u32 s9, $0xF7A;
	s5 =	simm.s32 @!p2 $0x0  }
0x1d: {  	s5 =	simm.s32 @p1 $0x1;
	p0 =	seq.s32 s7, s2  }
0x1e: {  	s7 =	smul.u32 @!p0 $0xF7A, s2;
	p2 =	seq.s32 @!p0 s5, $0x0  }
0x1f: {  	s9 =	smul.u32 $0xF7A, s1;
	s8 =	simm.s32 @!p0 $0x1BF5;
	p2 =	por !p2, p0  }
0x20: {  	[sflag:s8] =	ssyncset.s32 @!p0 $0xFFFFF086;
	s6 =	sadd.s32 @!p0 s3, s7;
	s7 =	simm.s32 @!p0 $0x108  }
0x21: {  	s3 =	sadd.s32 s3, s9;
	s6 =	sadd.s32 @!p0 $0x88, s6;
	s7 =	simm.s32 @p2 $0x1082  }
0x22: {  	[simem:s7], [sflag:s8] =	dma.local @!p0 [hbm:s6], $0xF7A  }
0x23: {  	s9 =	sor.u32 $0xD0000000, s2;
	s6 =	simm.s32 $0x108;
	_ =	swait.ge @!p0 [sflag:s8], $0x0  }
0x24: {  	s3 =	sadd.s32 $0x88, s3;
	s6 =	simm.s32 @!p1 $0x1082;
	[sflag:s4] =	ssyncset.s32 $0xFFFFF086  }
0x25: {  	[simem:s6], [sflag:s4] =	dma.local [hbm:s3], $0xF7A  }
0x26: {  	[smem:$0x3F9C] =	sst s1;
	(tag) =	ssettag s2;
	_ =	strace s9  }
0x27: {  	s1 =	sld [smem:$0x3FAC]  }
0x28: {  	s2 =	sld [smem:$0x3FAD]  }
0x29: {  	s4 =	sld [smem:$0x3FAF]  }
0x2a: {  	p0 =	seq.s32 s5, $0x0;
	s5 =	sld [smem:$0x3FB0]  }
0x2b: {  	s6 =	sld [smem:$0x3FB1]  }
0x2c: {  	s7 =	sld [smem:$0x3FB2]  }
0x2d: {  	s3 =	simm.s32 $0x108;
	s8 =	sld [smem:$0x3FB3]  }
0x2e: {  	s3 =	simm.s32 @!p0 $0x1082;
	s9 =	sld [smem:$0x3FB4]  }
0x2f: {  	lr =	sadd.s32 s0, s3;
	s0 =	sld [smem:$0x3FAB]  }
0x30: {  	s3 =	sld [smem:$0x3FAE]  }
0x31: {  	[smem:$0x3FB7] =	sst s10  }
0x32: {  	s10 =	sld [smem:$0x3FB5];
	_ =	sdelay $0x3  }
0x33: {  	p0 =	seq.s32 s10, $0x1;
	s10 =	sld [smem:$0x3FB7];
	_ =	sdelay $0x3  }
0x34: {  	[smem:$0x3FB7] =	sst s10  }
0x35: {  	s10 =	sld [smem:$0x3FB6];
	_ =	sdelay $0x3  }
0x36: {  	p1 =	seq.s32 s10, $0x1;
	s10 =	sld [smem:$0x3FB7];
	_ =	sdelay $0x3  }
0x37: {  	[smem:$0x3FB7] =	sst s10  }
0x38: {  	s10 =	sld [smem:$0x3FB8]  }
0x39: {  	_ = 	snop;
	(pc) =	sbr.ind lr, $3  }
0x3a: {  	_ = 	snop  }
0x3b: {  	_ = 	snop  }
0x3c: {  	p2 =	seq.s32 s10, $0x1;
	s10 =	sld [smem:$0x3FB7]  }
0x3d: {  	_ =	shalt  }
0x3e: {  	_ =	shalt  }
0x3f: {  	_ =	shalt  }
0x40: {  	_ =	shalt  }
0x41: {  	_ =	shalt  }
0x42: {  	_ =	shalt  }
0x43: {  	_ =	shalt  }
0x44: {  	_ =	shalt  }
0x45: {  	_ =	shalt  }
0x46: {  	_ =	shalt  }
0x47: {  	_ =	shalt  }
0x48: {  	_ =	shalt  }
0x49: {  	_ =	shalt  }
0x4a: {  	_ =	shalt  }
0x4b: {  	_ =	shalt  }
0x4c: {  	_ =	shalt  }
0x4d: {  	_ =	shalt  }
0x4e: {  	_ =	shalt  }
0x4f: {  	_ =	shalt  }
0x50: {  	_ =	shalt  }
0x51: {  	_ =	shalt  }
0x52: {  	_ =	shalt  }
0x53: {  	_ =	shalt  }
0x54: {  	_ =	shalt  }
0x55: {  	_ =	shalt  }
0x56: {  	_ =	shalt  }
0x57: {  	_ =	shalt  }
0x58: {  	_ =	shalt  }
0x59: {  	_ =	shalt  }
0x5a: {  	_ =	shalt  }
0x5b: {  	_ =	shalt  }
0x5c: {  	_ =	shalt  }
0x5d: {  	_ =	shalt  }
0x5e: {  	_ =	shalt  }
0x5f: {  	_ =	shalt  }
0x60: {  	_ =	shalt  }
0x61: {  	_ =	shalt  }
0x62: {  	_ =	shalt  }
0x63: {  	_ =	shalt  }
0x64: {  	_ =	shalt  }
0x65: {  	_ =	shalt  }
0x66: {  	_ =	shalt  }
0x67: {  	_ =	shalt  }
0x68: {  	_ =	shalt  }
0x69: {  	_ =	shalt  }
0x6a: {  	_ =	shalt  }
0x6b: {  	_ =	shalt  }
0x6c: {  	_ =	shalt  }
0x6d: {  	_ =	shalt  }
0x6e: {  	_ =	shalt  }
0x6f: {  	_ =	shalt  }
0x70: {  	_ =	shalt  }
0x71: {  	_ =	shalt  }
0x72: {  	_ =	shalt  }
0x73: {  	_ =	shalt  }
0x74: {  	_ =	shalt  }
0x75: {  	_ =	shalt  }
0x76: {  	_ =	shalt  }
0x77: {  	_ =	shalt  }
0x78: {  	_ =	shalt  }
0x79: {  	_ =	shalt  }
0x7a: {  	_ =	shalt  }
0x7b: {  	_ =	shalt  }
0x7c: {  	_ =	shalt  }
0x7d: {  	_ =	shalt  }
0x7e: {  	_ =	shalt  }
0x7f: {  	_ =	shalt  }
0x80: {  	_ =	shalt  }
0x81: {  	_ =	shalt  }
0x82: {  	_ =	shalt  }
0x83: {  	_ =	shalt  }
0x84: {  	_ =	shalt  }
0x85: {  	_ =	shalt  }
0x86: {  	_ =	shalt  }
0x87: {  	_ =	shalt  }
.Lfunc_end0:
.L_simem_size_0:
called_computation.1_lowered:
.L_overlay_start_0:
0x88: {  	s2 =	sld [smem:$0x3FD9]  }
0x89: {  	s3 =	sld [smem:$0x3FFE];
	_ =	sdelay $0x1  }
0x8a: {  	s1 =	srdreg.scid  }
0x8b: {  	s0 =	sand.u32 $0x1, s1  }
0x8c: {  	s17 =	sshll.u32 s0, $0xA;
	s2 =	sadd.s32 s3, s2  }
0x8d: {  	s2 =	sadd.s32 s2, s17  }
0x8e: {  	[smem:$0x3FC3] =	sst s2  }
0x8f: {  	_ = 	snop  }
0x90: {  	s2 =	sld [smem:$0x3FD0];
	(tm) =	ssettm $0x1  }
0x91: {  	s18 =	sld [smem:$0x3FFB];
	_ =	sdelay $0x3  }
0x92: {  	_ =	strace s18  }
0x93: {  	s3 =	sld [smem:$0x3FFC];
	_ =	sdelay $0x3  }
0x94: {  	_ =	strace s3  }
0x95: {  	s3 =	sld [smem:$0x3FFD];
	_ =	sdelay $0x3  }
0x96: {  	_ =	strace s3  }
0x97: {  	_ =	strace $0x8FFFFFFF  }
0x98: {  	s19 =	sld [smem:$0x3FDB];
	_ =	sdelay $0x1  }
0x99: {  	s4 =	simm.s32 $_scs_section_size  }
0x9a: {  	s5 =	simm.s32 $_size__tile_overlayer_lowered;
	s6 =	simm.s32 $_tile_overlayer_lowered  }
0x9b: {  	s22 =	simm.s32 $0x1BFF;
	s21 =	sshll.u32 s6, $0x1;
	s3 =	sadd.s32 s4, s19  }
0x9c: {  	s7 =	simm.s32 $0x0;
	s20 =	sshll.u32 s5, $0x1;
	s5 =	sadd.s32 s21, s3  }
0x9d: {  	[timem:s7], [sflag:s22] =	dma.local [hbm:s5], s20  }
0x9e: {  	_ =	swait.ge [sflag:s22], s20  }
0x9f: {  	s4 =	ssub.s32 $0x0, s20;
	[sflag:s22] =	ssyncset.done $0x0  }
0xa0: {  	[sflag:s22] =	ssyncadd.s32 s4;
	_ =	sdelay $0x1  }
0xa1: {  	s23 =	simm.s32 $0x1B8B  }
0xa2: {  	_ =	swait.ge [sflag:s23], $0x1  }
0xa3: {  	[sflag:s23] =	ssyncset.done $0x0  }
0xa4: {  	s25 =	simm.s32 $0x1B8E;
	s24 =	sld [smem:$0x3FFE];
	[sflag:s23] =	ssyncadd.s32 $0xFFFFFFFF  }
0xa5: {  	s26 =	simm.s32 $execute0_lowered;
	[smem:$0x3FD2] =	sst s25  }
0xa6: {  	s5 =	sshll.u32 s26, $0x1;
	_ =	strace $0x80000049;
	[dreg:$0x1] =	wrdreg $0xFFFFFFFF  }
0xa7: {  	s28 =	simm.s32 $_size_execute0_lowered;
	s3 =	sadd.s32 s3, s5;
	[dreg:$0x0] =	wrdreg $0x0  }
0xa8: {  	s5 =	sshll.u32 s28, $0x1;
	[dreg:$0x2] =	wrdreg s3  }
0xa9: {  	[dreg:$0x3] =	wrdreg s5  }
0xaa: {  	[dreg:$0x4] =	wrdreg $0xC0  }
0xab: {  	_ =	task [dreg:s7], $0x5FFFF  }
0xac: {  	[dreg:$0x1] =	wrdreg $0xFFFFFFFF  }
0xad: {  	[dreg:$0x0] =	wrdreg $0x60  }
0xae: {  	[dreg:$0x2] =	wrdreg s24  }
0xaf: {  	[dreg:$0x3] =	wrdreg s2  }
0xb0: {  	[dreg:$0x4] =	wrdreg $0x9  }
0xb1: {  	_ =	task.clear_ibuf [dreg:s7], $0x5FFFF;
	_ =	strace $0x90000049  }
0xb2: {  	s29 =	simm.s32 $0x9;
	_ =	strace $0x8000004B  }
0xb3: {  	_ =	swait.ge [sflag:s29], $0x1  }
0xb4: {  	[sflag:s29] =	ssyncadd.s32 $0xFFFFFFFF  }
0xb5: {  	_ =	strace $0x9000004B  }
0xb6: {  	_ =	sfence  }
0xb7: {  	s30 =	sld [smem:$0x0];
	_ =	sdelay $0x2  }
0xb8: {  	s31 =	sshll.u32 s1, $0xD;
	s1 =	sshrl.u32 s1, $0x2  }
0xb9: {  	s3 =	sand.u32 $0x4000, s31;
	s1 =	sadd.s32 s1, s30  }
0xba: {  	s0 =	sor.u32 s3, s0;
	s1 =	sshll.u32 s1, $0x11  }
0xbb: {  	s0 =	sor.u32 s1, s0  }
0xbc: {  	s0 =	sadd.s32 $0x8F2B, s0  }
0xbd: {  	[sflag:s0] =	ssyncadd.remote.s32 $0x1  }
0xbe: {  	_ =	sfence.sel $0xFFFF  }
0xbf: {  	[dreg:$0x0] =	wrdreg $0xFFFFFFFF;
	(pc) =	sbr.abs _section_cstart, $3  }
0xc0: {  	[dreg:$0x1] =	wrdreg $0xFFFFFFFF  }
0xc1: {  	_ =	task.clear_ibuf [dreg:s7], $0x2FFFF;
	_ =	strace $0x9FFFFFFF  }
0xc2: {  	(tm) =	ssettm $0x7FFFFFFF  }
0xc3: {  	_ =	shalt  }
tec
execute0_lowered:
.L_overlay_start_1:
0x0: {  	(tag) =	ssettag $0x1  }
0x1: {  	s1 =	rddreg [dreg:$0x0]  }
0x2: {  	s2 =	simm.s32 $0x0;
	s0 =	srdreg.scid;
	s4 =	stileid.u32  }
0x3: {  	s12 =	simm.s32 $0x3;
	s13 =	simm.s32 $0x100;
	s14 =	simm.s32 $0xB100  }
0x4: {  	s15 =	simm.s32 $0xB900;
	s16 =	simm.s32 $0xC100;
	s17 =	simm.s32 $0xC900  }
0x5: {  	s18 =	simm.s32 $0xD100;
	s19 =	simm.s32 $0xD900;
	s20 =	simm.s32 $0xE100  }
0x6: {  	s21 =	simm.s32 $0xE900;
	s22 =	simm.s32 $0xF100;
	s23 =	simm.s32 $0xF900  }
0x7: {  	s24 =	simm.s32 $0x1;
	s25 =	simm.s32 $0x2;
	[smem:$0x7FF] =	sst s2  }
0x8: {  	s0 =	sand.u32 $0x1, s0;
	s5 =	sadd.s32 $0xC0000, s1;
	s6 =	sadd.s32 $0xC0200, s1  }
0x9: {  	s30 =	sshll.u32 s4, $0x7;
	s8 =	sadd.s32 $0x100, s1;
	s29 =	ssub.s32 $0x2, s0  }
0xa: {  	s9 =	sadd.s32 $0x200, s1;
	s10 =	sadd.s32 $0x300, s1;
	s3 =	sshrl.u32 s29, $0x1  }
0xb: {  	v2 =	vlaneseq.u32;
	s4 =	simm.s32 $0x0;
	s0 =	sshll.u32 s0, $0x6;
	s2 =	ssub.s32 s29, s3  }
0xc: {  	vm0 =	vmmov $0xffff;
	v1 =	vshrl.u32 v2, $0x3;
	_ =	strace $0x8000004A;
	s7 =	sor.u32 s0, s30;
	s31 =	smax.u32 s2, $0x1  }
0xd: {  	v0 =	vand.u32 $0x7, v2;
	v2 =	vor.u32 $0x8, v2;
	v1 =	vmul.u32 $0x8, v1;
	s3 =	simm.s32 $0xA900;
	s2 =	simm.s32 $0xA100;
	[dreg:$0x3] =	wrdreg s31  }
.LBB2_1:
0xe: {  	[dreg:$0x4] =	wrdreg s4;
	p1 =	por $0x1, $0x1;
	s0 =	simm.s32 $0x0  }
.LBB2_2:
0xf: {  	s26 =	sor.u32 s7, s0  }
0x10: {  	s0 =	sshrl.u32 s26, $0x3  }
0x11: {  	s28 =	simm.s32 $0x0;
	s29 =	sadd.s32 s5, s0  }
0x12: {  	[tilespmem:s28], [sflag:$0x3] =	stream.linear.gather [hbm4b:s29+s28], $0x20, $0x38;
	[tilespmem:$0x10100] =	vst v63  }
0x13: {  	_ =	swait.ge [sflag:s12], $0x20  }
0x14: {  	[sflag:s12] =	ssyncset.done $0x0  }
0x15: {  	[sflag:s12] =	ssyncadd.s32 $0xFFFFFFE0  }
0x16: {  	v3 =	vld [tilespmem:$0x0];
	_ =	sdelay $0x4  }
0x17: {  	v4 =	vshll.u32 v3, $0x3  }
0x18: {  	v3 =	vand.u32 $0x7, v3;
	v4 =	vand.u32 $0xFFFFFFC0, v4  }
0x19: {  	v3 =	vor.u32 v3, v4  }
0x1a: {  	v4 =	vperm.xlane v3, v0;
	_ =	sdelay $0x1  }
0x1b: {  	v4 =	vadd.s32 v1, v4;
	_ =	sdelay $0x4  }
0x1c: {  	[tilespmem:s13], [sflag:$0x1] =	stream.indirect_vreg.gather [hbm4b:s1+s28], $0x80, v4, vm0, $0xb8;
	[tilespmem:$0x10100] =	vst v63  }
0x1d: {  	s4 =	simm.s32 $0x900;
	v3 =	vperm.xlane v3, v2  }
0x1e: {  	[tilespmem:s4], [sflag:$0x1] =	stream.indirect_vreg.gather [hbm4b:s8+s28], $0x80, v4, vm0, $0xb8;
	[tilespmem:$0x10100] =	vst v63  }
0x1f: {  	s11 =	simm.s32 $0x1100;
	v3 =	vadd.s32 v1, v3  }
0x20: {  	[tilespmem:s11], [sflag:$0x1] =	stream.indirect_vreg.gather [hbm4b:s9+s28], $0x80, v4, vm0, $0xb8;
	[tilespmem:$0x10100] =	vst v63  }
0x21: {  	s11 =	simm.s32 $0x1900  }
0x22: {  	[tilespmem:s11], [sflag:$0x1] =	stream.indirect_vreg.gather [hbm4b:s10+s28], $0x80, v4, vm0, $0xb8;
	[tilespmem:$0x10100] =	vst v63  }
0x23: {  	s11 =	simm.s32 $0x2100  }
0x24: {  	[tilespmem:s11], [sflag:$0x1] =	stream.indirect_vreg.gather [hbm4b:s1+s28], $0x80, v3, vm0, $0xb8;
	[tilespmem:$0x10100] =	vst v63  }
0x25: {  	s11 =	simm.s32 $0x2900  }
0x26: {  	[tilespmem:s11], [sflag:$0x1] =	stream.indirect_vreg.gather [hbm4b:s8+s28], $0x80, v3, vm0, $0xb8;
	[tilespmem:$0x10100] =	vst v63  }
0x27: {  	s11 =	simm.s32 $0x3100  }
0x28: {  	[tilespmem:s11], [sflag:$0x1] =	stream.indirect_vreg.gather [hbm4b:s9+s28], $0x80, v3, vm0, $0xb8;
	[tilespmem:$0x10100] =	vst v63  }
0x29: {  	s11 =	simm.s32 $0x3900  }
0x2a: {  	[tilespmem:s11], [sflag:$0x1] =	stream.indirect_vreg.gather [hbm4b:s10+s28], $0x80, v3, vm0, $0xb8;
	[tilespmem:$0x10100] =	vst v63  }
0x2b: {  	v3 =	vld [tilespmem:$0x10];
	_ =	sdelay $0x4  }
0x2c: {  	v61 =	vshll.u32 v3, $0x3  }
0x2d: {  	v3 =	vand.u32 $0x7, v3;
	v4 =	vand.u32 $0xFFFFFFC0, v61  }
0x2e: {  	v3 =	vor.u32 v3, v4  }
0x2f: {  	v4 =	vperm.xlane v3, v0;
	_ =	sdelay $0x1  }
0x30: {  	v4 =	vadd.s32 v1, v4;
	_ =	sdelay $0x3  }
0x31: {  	s11 =	simm.s32 $0x4100  }
0x32: {  	[tilespmem:s11], [sflag:$0x1] =	stream.indirect_vreg.gather [hbm4b:s1+s28], $0x80, v4, vm0, $0xb8;
	[tilespmem:$0x10100] =	vst v63  }
0x33: {  	v3 =	vperm.xlane v3, v2;
	s11 =	simm.s32 $0x4900  }
0x34: {  	[tilespmem:s11], [sflag:$0x1] =	stream.indirect_vreg.gather [hbm4b:s8+s28], $0x80, v4, vm0, $0xb8;
	[tilespmem:$0x10100] =	vst v63  }
0x35: {  	v3 =	vadd.s32 v1, v3;
	s11 =	simm.s32 $0x5100  }
0x36: {  	[tilespmem:s11], [sflag:$0x1] =	stream.indirect_vreg.gather [hbm4b:s9+s28], $0x80, v4, vm0, $0xb8;
	[tilespmem:$0x10100] =	vst v63  }
0x37: {  	s11 =	simm.s32 $0x5900  }
0x38: {  	[tilespmem:s11], [sflag:$0x1] =	stream.indirect_vreg.gather [hbm4b:s10+s28], $0x80, v4, vm0, $0xb8;
	[tilespmem:$0x10100] =	vst v63  }
0x39: {  	s11 =	simm.s32 $0x6100  }
0x3a: {  	[tilespmem:s11], [sflag:$0x1] =	stream.indirect_vreg.gather [hbm4b:s1+s28], $0x80, v3, vm0, $0xb8;
	[tilespmem:$0x10100] =	vst v63  }
0x3b: {  	s11 =	simm.s32 $0x6900  }
0x3c: {  	[tilespmem:s11], [sflag:$0x1] =	stream.indirect_vreg.gather [hbm4b:s8+s28], $0x80, v3, vm0, $0xb8;
	[tilespmem:$0x10100] =	vst v63  }
0x3d: {  	s11 =	simm.s32 $0x7100  }
0x3e: {  	[tilespmem:s11], [sflag:$0x1] =	stream.indirect_vreg.gather [hbm4b:s9+s28], $0x80, v3, vm0, $0xb8;
	[tilespmem:$0x10100] =	vst v63  }
0x3f: {  	s11 =	simm.s32 $0x7900  }
0x40: {  	[tilespmem:s11], [sflag:$0x1] =	stream.indirect_vreg.gather [hbm4b:s10+s28], $0x80, v3, vm0, $0xb8;
	[tilespmem:$0x10100] =	vst v63  }
0x41: {  	s0 =	sadd.s32 s6, s0;
	s11 =	simm.s32 $0x80  }
0x42: {  	[tilespmem:s11], [sflag:$0x3] =	stream.linear.gather [hbm4b:s0+s28], $0x20, $0x38;
	[tilespmem:$0x10100] =	vst v63  }
0x43: {  	_ =	swait.ge [sflag:s12], $0x20  }
0x44: {  	[sflag:s12] =	ssyncset.done $0x0  }
0x45: {  	[sflag:s12] =	ssyncadd.s32 $0xFFFFFFE0  }
0x46: {  	v3 =	vld [tilespmem:$0x80];
	_ =	sdelay $0x4  }
0x47: {  	v62 =	vshll.u32 v3, $0x3  }
0x48: {  	v3 =	vand.u32 $0x7, v3;
	v4 =	vand.u32 $0xFFFFFFC0, v62  }
0x49: {  	v3 =	vor.u32 v3, v4  }
0x4a: {  	v4 =	vperm.xlane v3, v0;
	_ =	sdelay $0x1  }
0x4b: {  	v4 =	vadd.s32 v1, v4;
	_ =	sdelay $0x3  }
0x4c: {  	s4 =	simm.s32 $0x8100  }
0x4d: {  	[tilespmem:s4], [sflag:$0x2] =	stream.indirect_vreg.gather [hbm4b:s1+s28], $0x80, v4, vm0, $0xb8;
	[tilespmem:$0x10100] =	vst v63  }
0x4e: {  	s11 =	simm.s32 $0x8900;
	v3 =	vperm.xlane v3, v2  }
0x4f: {  	[tilespmem:s11], [sflag:$0x2] =	stream.indirect_vreg.gather [hbm4b:s8+s28], $0x80, v4, vm0, $0xb8;
	[tilespmem:$0x10100] =	vst v63  }
0x50: {  	v3 =	vadd.s32 v1, v3;
	s4 =	simm.s32 $0x9100  }
0x51: {  	[tilespmem:s4], [sflag:$0x2] =	stream.indirect_vreg.gather [hbm4b:s9+s28], $0x80, v4, vm0, $0xb8;
	[tilespmem:$0x10100] =	vst v63  }
0x52: {  	s11 =	simm.s32 $0x9900  }
0x53: {  	[tilespmem:s11], [sflag:$0x2] =	stream.indirect_vreg.gather [hbm4b:s10+s28], $0x80, v4, vm0, $0xb8;
	[tilespmem:$0x10100] =	vst v63  }
0x54: {  	_ = 	snop  }
0x55: {  	[tilespmem:s2], [sflag:$0x2] =	stream.indirect_vreg.gather [hbm4b:s1+s28], $0x80, v3, vm0, $0xb8;
	[tilespmem:$0x10100] =	vst v63  }
0x56: {  	_ = 	snop  }
0x57: {  	[tilespmem:s3], [sflag:$0x2] =	stream.indirect_vreg.gather [hbm4b:s8+s28], $0x80, v3, vm0, $0xb8;
	[tilespmem:$0x10100] =	vst v63  }
0x58: {  	_ = 	snop  }
0x59: {  	[tilespmem:s14], [sflag:$0x2] =	stream.indirect_vreg.gather [hbm4b:s9+s28], $0x80, v3, vm0, $0xb8;
	[tilespmem:$0x10100] =	vst v63  }
0x5a: {  	_ = 	snop  }
0x5b: {  	[tilespmem:s15], [sflag:$0x2] =	stream.indirect_vreg.gather [hbm4b:s10+s28], $0x80, v3, vm0, $0xb8;
	[tilespmem:$0x10100] =	vst v63  }
0x5c: {  	v3 =	vld [tilespmem:$0x90];
	_ =	sdelay $0x4  }
0x5d: {  	v63 =	vshll.u32 v3, $0x3  }
0x5e: {  	v3 =	vand.u32 $0x7, v3;
	v4 =	vand.u32 $0xFFFFFFC0, v63  }
0x5f: {  	v3 =	vor.u32 v3, v4  }
0x60: {  	v4 =	vperm.xlane v3, v0;
	_ =	sdelay $0x1  }
0x61: {  	v4 =	vadd.s32 v1, v4;
	_ =	sdelay $0x4  }
0x62: {  	[tilespmem:s16], [sflag:$0x2] =	stream.indirect_vreg.gather [hbm4b:s1+s28], $0x80, v4, vm0, $0xb8;
	[tilespmem:$0x10100] =	vst v63  }
0x63: {  	v3 =	vperm.xlane v3, v2  }
0x64: {  	[tilespmem:s17], [sflag:$0x2] =	stream.indirect_vreg.gather [hbm4b:s8+s28], $0x80, v4, vm0, $0xb8;
	[tilespmem:$0x10100] =	vst v63  }
0x65: {  	v3 =	vadd.s32 v1, v3  }
0x66: {  	[tilespmem:s18], [sflag:$0x2] =	stream.indirect_vreg.gather [hbm4b:s9+s28], $0x80, v4, vm0, $0xb8;
	[tilespmem:$0x10100] =	vst v63  }
0x67: {  	_ = 	snop  }
0x68: {  	[tilespmem:s19], [sflag:$0x2] =	stream.indirect_vreg.gather [hbm4b:s10+s28], $0x80, v4, vm0, $0xb8;
	[tilespmem:$0x10100] =	vst v63  }
0x69: {  	_ = 	snop  }
0x6a: {  	[tilespmem:s20], [sflag:$0x2] =	stream.indirect_vreg.gather [hbm4b:s1+s28], $0x80, v3, vm0, $0xb8;
	[tilespmem:$0x10100] =	vst v63  }
0x6b: {  	_ = 	snop  }
0x6c: {  	[tilespmem:s21], [sflag:$0x2] =	stream.indirect_vreg.gather [hbm4b:s8+s28], $0x80, v3, vm0, $0xb8;
	[tilespmem:$0x10100] =	vst v63  }
0x6d: {  	_ = 	snop  }
0x6e: {  	[tilespmem:s22], [sflag:$0x2] =	stream.indirect_vreg.gather [hbm4b:s9+s28], $0x80, v3, vm0, $0xb8;
	[tilespmem:$0x10100] =	vst v63  }
0x6f: {  	_ = 	snop  }
0x70: {  	[tilespmem:s23], [sflag:$0x2] =	stream.indirect_vreg.gather [hbm4b:s10+s28], $0x80, v3, vm0, $0xb8;
	[tilespmem:$0x10100] =	vst v63  }
0x71: {  	_ =	swait.ge [sflag:s24], $0x8000  }
0x72: {  	[sflag:s24] =	ssyncset.done $0x0  }
0x73: {  	[sflag:s24] =	ssyncadd.s32 $0xFFFF8000  }
0x74: {  	_ =	swait.ge [sflag:s25], $0x8000  }
0x75: {  	p0 =	por p1, p1;
	s30 =	simm.s32 $0x0;
	[sflag:s25] =	ssyncset.done $0x0  }
0x76: {  	s31 =	simm.s32 $0x0;
	s29 =	simm.s32 $0xFFFF8000;
	[sflag:s25] =	ssyncadd.s32 $0xFFFF8000  }
.LBB2_3:
0x77: {  	s0 =	sadd.s32 $0x8000, s29  }
0x78: {  	s4 =	sand.u32 $0x380, s31;
	s0 =	sand.u32 $0x6000, s0  }
0x79: {  	s0 =	sor.u32 s4, s0  }
0x7a: {  	v3 =	vld [tilespmem:s0+$0x100]  }
0x7b: {  	v4 =	vld [tilespmem:s0+$0x8100]  }
0x7c: {  	v5 =	vld [tilespmem:s0+$0x110]  }
0x7d: {  	v6 =	vld [tilespmem:s0+$0x8110]  }
0x7e: {  	v7 =	vld [tilespmem:s0+$0x120]  }
0x7f: {  	v8 =	vld [tilespmem:s0+$0x8120]  }
0x80: {  	v9 =	vld [tilespmem:s0+$0x130]  }
0x81: {  	v10 =	vld [tilespmem:s0+$0x8130]  }
0x82: {  	v11 =	vld [tilespmem:s0+$0x140]  }
0x83: {  	v12 =	vld [tilespmem:s0+$0x8140]  }
0x84: {  	v13 =	vld [tilespmem:s0+$0x150]  }
0x85: {  	v14 =	vld [tilespmem:s0+$0x8150]  }
0x86: {  	v15 =	vld [tilespmem:s0+$0x160]  }
0x87: {  	v16 =	vld [tilespmem:s0+$0x8160]  }
0x88: {  	v17 =	vld [tilespmem:s0+$0x170]  }
0x89: {  	v18 =	vld [tilespmem:s0+$0x8170]  }
0x8a: {  	v19 =	vld [tilespmem:s0+$0x500]  }
0x8b: {  	v20 =	vld [tilespmem:s0+$0x8500]  }
0x8c: {  	v21 =	vld [tilespmem:s0+$0x510]  }
0x8d: {  	v22 =	vld [tilespmem:s0+$0x8510]  }
0x8e: {  	v23 =	vld [tilespmem:s0+$0x520]  }
0x8f: {  	v24 =	vld [tilespmem:s0+$0x8520]  }
0x90: {  	v25 =	vld [tilespmem:s0+$0x530]  }
0x91: {  	v26 =	vld [tilespmem:s0+$0x8530]  }
0x92: {  	v27 =	vld [tilespmem:s0+$0x540]  }
0x93: {  	v28 =	vld [tilespmem:s0+$0x8540]  }
0x94: {  	v29 =	vld [tilespmem:s0+$0x550]  }
0x95: {  	v30 =	vld [tilespmem:s0+$0x8550]  }
0x96: {  	v31 =	vld [tilespmem:s0+$0x560]  }
0x97: {  	v32 =	vld [tilespmem:s0+$0x8560]  }
0x98: {  	v33 =	vld [tilespmem:s0+$0x570]  }
0x99: {  	v34 =	vld [tilespmem:s0+$0x8570]  }
0x9a: {  	v35 =	vld [tilespmem:s0+$0x900]  }
0x9b: {  	v36 =	vld [tilespmem:s0+$0x8900]  }
0x9c: {  	v37 =	vld [tilespmem:s0+$0x910]  }
0x9d: {  	v38 =	vld [tilespmem:s0+$0x8910]  }
0x9e: {  	v39 =	vld [tilespmem:s0+$0x920]  }
0x9f: {  	v40 =	vld [tilespmem:s0+$0x8920]  }
0xa0: {  	v41 =	vld [tilespmem:s0+$0x930]  }
0xa1: {  	v42 =	vld [tilespmem:s0+$0x8930]  }
0xa2: {  	v43 =	vld [tilespmem:s0+$0x940]  }
0xa3: {  	v44 =	vld [tilespmem:s0+$0x8940]  }
0xa4: {  	v45 =	vld [tilespmem:s0+$0x950]  }
0xa5: {  	v46 =	vld [tilespmem:s0+$0x8950]  }
0xa6: {  	v47 =	vld [tilespmem:s0+$0x960]  }
0xa7: {  	v48 =	vld [tilespmem:s0+$0x8960]  }
0xa8: {  	v49 =	vld [tilespmem:s0+$0x970]  }
0xa9: {  	v50 =	vld [tilespmem:s0+$0x8970]  }
0xaa: {  	v51 =	vld [tilespmem:s0+$0xD00]  }
0xab: {  	v52 =	vld [tilespmem:s0+$0x8D00]  }
0xac: {  	v53 =	vld [tilespmem:s0+$0xD10]  }
0xad: {  	v54 =	vld [tilespmem:s0+$0x8D10]  }
0xae: {  	v55 =	vld [tilespmem:s0+$0xD20]  }
0xaf: {  	v56 =	vld [tilespmem:s0+$0x8D20]  }
0xb0: {  	v57 =	vld [tilespmem:s0+$0xD30]  }
0xb1: {  	v58 =	vld [tilespmem:s0+$0x8D30]  }
0xb2: {  	v59 =	vld [tilespmem:s0+$0xD40]  }
0xb3: {  	v60 =	vld [tilespmem:s0+$0x8D40]  }
0xb4: {  	v61 =	vld [tilespmem:s0+$0xD50]  }
0xb5: {  	v62 =	vld [tilespmem:s0+$0x8D50]  }
0xb6: {  	v63 =	vld [tilespmem:s0+$0xD60]  }
0xb7: {  	v3 =	vadd.f32 v4, v3;
	v4 =	vld [tilespmem:s0+$0x8D60]  }
0xb8: {  	v5 =	vadd.f32 v6, v5;
	v6 =	vld [tilespmem:s0+$0xD70]  }
0xb9: {  	v14 =	vadd.f32 v14, v13;
	v13 =	vld [tilespmem:s0+$0x9120];
	[tilespmem:s0+$0x100] =	vst v3;
	v3 =	vadd.f32 v8, v7  }
0xba: {  	v18 =	vadd.f32 v18, v17;
	v17 =	vld [tilespmem:s0+$0x9140];
	[tilespmem:s0+$0x110] =	vst v5  }
0xbb: {  	v22 =	vadd.f32 v22, v21;
	v21 =	vld [tilespmem:s0+$0x9160];
	[tilespmem:s0+$0x120] =	vst v3;
	v3 =	vadd.f32 v12, v11  }
0xbc: {  	v7 =	vld [tilespmem:s0+$0x8D70];
	[tilespmem:s0+$0x150] =	vst v14  }
0xbd: {  	v8 =	vld [tilespmem:s0+$0x1100];
	[tilespmem:s0+$0x140] =	vst v3;
	v3 =	vadd.f32 v16, v15  }
0xbe: {  	v5 =	vadd.f32 v10, v9;
	v9 =	vld [tilespmem:s0+$0x9100];
	[tilespmem:s0+$0x170] =	vst v18  }
0xbf: {  	v10 =	vld [tilespmem:s0+$0x1110];
	[tilespmem:s0+$0x160] =	vst v3;
	v3 =	vadd.f32 v20, v19  }
0xc0: {  	v26 =	vadd.f32 v26, v25;
	v14 =	vld [tilespmem:s0+$0x1130];
	[tilespmem:s0+$0x510] =	vst v22  }
0xc1: {  	v18 =	vld [tilespmem:s0+$0x1150];
	[tilespmem:s0+$0x500] =	vst v3;
	v3 =	vadd.f32 v24, v23  }
0xc2: {  	v30 =	vadd.f32 v30, v29;
	[tilespmem:s0+$0x530] =	vst v26;
	v22 =	vld [tilespmem:s0+$0x1170]  }
0xc3: {  	v19 =	vld [tilespmem:s0+$0x9150];
	[tilespmem:s0+$0x520] =	vst v3;
	v3 =	vadd.f32 v28, v27  }
0xc4: {  	v34 =	vadd.f32 v34, v33;
	[tilespmem:s0+$0x550] =	vst v30;
	v11 =	vld [tilespmem:s0+$0x9110]  }
0xc5: {  	v12 =	vld [tilespmem:s0+$0x1120];
	[tilespmem:s0+$0x540] =	vst v3;
	v3 =	vadd.f32 v32, v31  }
0xc6: {  	[tilespmem:s0+$0x570] =	vst v34;
	v15 =	vld [tilespmem:s0+$0x9130]  }
0xc7: {  	v16 =	vld [tilespmem:s0+$0x1140];
	[tilespmem:s0+$0x560] =	vst v3;
	v3 =	vadd.f32 v36, v35  }
0xc8: {  	[tilespmem:s0+$0x130] =	vst v5;
	v20 =	vld [tilespmem:s0+$0x1160];
	v19 =	vadd.f32 v19, v18  }
0xc9: {  	v24 =	vld [tilespmem:s0+$0x1500];
	[tilespmem:s0+$0x900] =	vst v3;
	v3 =	vadd.f32 v40, v39  }
0xca: {  	[tilespmem:s0+$0x1150] =	vst v19;
	v36 =	vadd.f32 v38, v37;
	v37 =	vld [tilespmem:s0+$0x9170]  }
0xcb: {  	v38 =	vadd.f32 v42, v41;
	v41 =	vld [tilespmem:s0+$0x1510];
	[tilespmem:s0+$0x920] =	vst v3;
	v3 =	vadd.f32 v44, v43  }
0xcc: {  	v42 =	vld [tilespmem:s0+$0x9510];
	[tilespmem:s0+$0x910] =	vst v36  }
0xcd: {  	v35 =	vld [tilespmem:s0+$0x1910];
	[tilespmem:s0+$0x940] =	vst v3;
	v3 =	vadd.f32 v48, v47  }
0xce: {  	v39 =	vld [tilespmem:s0+$0x9500];
	[tilespmem:s0+$0x930] =	vst v38;
	v40 =	vadd.f32 v46, v45  }
0xcf: {  	v45 =	vld [tilespmem:s0+$0x9520];
	[tilespmem:s0+$0x960] =	vst v3;
	v3 =	vadd.f32 v52, v51  }
0xd0: {  	v46 =	vadd.f32 v54, v53;
	v53 =	vld [tilespmem:s0+$0x1550];
	[tilespmem:s0+$0x950] =	vst v40  }
0xd1: {  	v54 =	vld [tilespmem:s0+$0x9550];
	[tilespmem:s0+$0xD00] =	vst v3;
	v3 =	vadd.f32 v56, v55  }
0xd2: {  	v36 =	vld [tilespmem:s0+$0x9910];
	v43 =	vadd.f32 v50, v49;
	[tilespmem:s0+$0xD10] =	vst v46  }
0xd3: {  	v38 =	vld [tilespmem:s0+$0x1920];
	[tilespmem:s0+$0xD20] =	vst v3;
	v3 =	vadd.f32 v60, v59  }
0xd4: {  	v44 =	vld [tilespmem:s0+$0x1520];
	v49 =	vadd.f32 v58, v57;
	[tilespmem:s0+$0x970] =	vst v43  }
0xd5: {  	v50 =	vld [tilespmem:s0+$0x1540];
	[tilespmem:s0+$0xD40] =	vst v3;
	v3 =	vadd.f32 v4, v63  }
0xd6: {  	v57 =	vld [tilespmem:s0+$0x9560];
	v58 =	vadd.f32 v11, v10;
	[tilespmem:s0+$0xD30] =	vst v49  }
0xd7: {  	v46 =	vld [tilespmem:s0+$0x9950];
	[tilespmem:s0+$0xD60] =	vst v3;
	v3 =	vadd.f32 v9, v8  }
0xd8: {  	v37 =	vadd.f32 v37, v22;
	v40 =	vadd.f32 v42, v41;
	v41 =	vld [tilespmem:s0+$0x1930];
	[tilespmem:s0+$0x1110] =	vst v58  }
0xd9: {  	v42 =	vld [tilespmem:s0+$0x9930];
	[tilespmem:s0+$0x1100] =	vst v3;
	v3 =	vadd.f32 v13, v12  }
0xda: {  	v47 =	vld [tilespmem:s0+$0x1530];
	[tilespmem:s0+$0x1170] =	vst v37  }
0xdb: {  	v48 =	vld [tilespmem:s0+$0x9530];
	[tilespmem:s0+$0x1120] =	vst v3;
	v3 =	vadd.f32 v17, v16  }
0xdc: {  	v49 =	vld [tilespmem:s0+$0x9960];
	[tilespmem:s0+$0x1510] =	vst v40;
	v52 =	vadd.f32 v62, v61  }
0xdd: {  	v51 =	vld [tilespmem:s0+$0x9540];
	[tilespmem:s0+$0x1140] =	vst v3;
	v3 =	vadd.f32 v21, v20  }
0xde: {  	v61 =	vadd.f32 v15, v14;
	v62 =	vld [tilespmem:s0+$0x1900];
	[tilespmem:s0+$0xD50] =	vst v52  }
0xdf: {  	v56 =	vld [tilespmem:s0+$0x1560];
	[tilespmem:s0+$0x1160] =	vst v3;
	v3 =	vadd.f32 v39, v24  }
0xe0: {  	v55 =	vadd.f32 v7, v6;
	[tilespmem:s0+$0x1130] =	vst v61;
	v52 =	vld [tilespmem:s0+$0x9970]  }
0xe1: {  	v43 =	vadd.f32 v48, v47;
	v47 =	vld [tilespmem:s0+$0x1960];
	[tilespmem:s0+$0x1500] =	vst v3;
	v3 =	vadd.f32 v45, v44  }
0xe2: {  	[tilespmem:s0+$0xD70] =	vst v55;
	v63 =	vld [tilespmem:s0+$0x9900]  }
0xe3: {  	v59 =	vld [tilespmem:s0+$0x1570];
	[tilespmem:s0+$0x1520] =	vst v3;
	v3 =	vadd.f32 v51, v50  }
0xe4: {  	[tilespmem:s0+$0x1530] =	vst v43;
	v4 =	vadd.f32 v54, v53;
	v39 =	vld [tilespmem:s0+$0x9920]  }
0xe5: {  	v60 =	vld [tilespmem:s0+$0x9570];
	[tilespmem:s0+$0x1540] =	vst v3;
	v3 =	vadd.f32 v57, v56  }
0xe6: {  	v54 =	vadd.f32 v42, v41;
	[tilespmem:s0+$0x1550] =	vst v4;
	v45 =	vld [tilespmem:s0+$0x1950]  }
0xe7: {  	v53 =	vld [tilespmem:s0+$0x9940];
	[tilespmem:s0+$0x1560] =	vst v3;
	v3 =	vadd.f32 v63, v62  }
0xe8: {  	[tilespmem:s0+$0x1930] =	vst v54;
	v55 =	vadd.f32 v49, v47;
	v50 =	vld [tilespmem:s0+$0x1970]  }
0xe9: {  	v44 =	vld [tilespmem:s0+$0x1940];
	[tilespmem:s0+$0x1900] =	vst v3;
	v3 =	vadd.f32 v39, v38  }
0xea: {  	v48 =	vadd.f32 v60, v59;
	[tilespmem:s0+$0x1960] =	vst v55  }
0xeb: {  	[tilespmem:s0+$0x1920] =	vst v3;
	v3 =	vadd.f32 v46, v45  }
0xec: {  	s11 =	sand.u32 $0x7, s28;
	[tilespmem:s0+$0x1570] =	vst v48;
	v51 =	vadd.f32 v36, v35  }
0xed: {  	s4 =	sshll.u32 s11, $0x7;
	[tilespmem:s0+$0x1950] =	vst v3;
	v3 =	vadd.f32 v52, v50  }
0xee: {  	s4 =	sadd.s32 s4, s30;
	[tilespmem:s0+$0x1910] =	vst v51;
	v56 =	vadd.f32 v53, v44  }
0xef: {  	s11 =	sor.u32 $0x1C00, s4;
	[tilespmem:s0+$0x1970] =	vst v3  }
0xf0: {  	[tilespmem:s0+$0x1940] =	vst v56;
	v3 =	vld [tilespmem:s11+$0x100]  }
0xf1: {  	v4 =	vld [tilespmem:s11+$0x8100];
	_ =	sdelay $0x4  }
0xf2: {  	v3 =	vadd.f32 v4, v3;
	_ =	sdelay $0x1  }
0xf3: {  	[tilespmem:s11+$0x100] =	vst v3;
	s11 =	sor.u32 $0x1C10, s4  }
0xf4: {  	v3 =	vld [tilespmem:s11+$0x100]  }
0xf5: {  	v57 =	vld [tilespmem:s11+$0x8100];
	_ =	sdelay $0x4  }
0xf6: {  	v3 =	vadd.f32 v57, v3;
	_ =	sdelay $0x1  }
0xf7: {  	[tilespmem:s11+$0x100] =	vst v3;
	s11 =	sor.u32 $0x1C20, s4  }
0xf8: {  	v3 =	vld [tilespmem:s11+$0x100]  }
0xf9: {  	v58 =	vld [tilespmem:s11+$0x8100];
	_ =	sdelay $0x4  }
0xfa: {  	v3 =	vadd.f32 v58, v3;
	_ =	sdelay $0x1  }
0xfb: {  	[tilespmem:s11+$0x100] =	vst v3;
	s11 =	sor.u32 $0x1C30, s4  }
0xfc: {  	v3 =	vld [tilespmem:s11+$0x100]  }
0xfd: {  	v59 =	vld [tilespmem:s11+$0x8100];
	_ =	sdelay $0x4  }
0xfe: {  	v3 =	vadd.f32 v59, v3;
	_ =	sdelay $0x1  }
0xff: {  	[tilespmem:s11+$0x100] =	vst v3;
	s11 =	sor.u32 $0x1C40, s4  }
0x100: {  	v3 =	vld [tilespmem:s11+$0x100]  }
0x101: {  	v60 =	vld [tilespmem:s11+$0x8100];
	_ =	sdelay $0x4  }
0x102: {  	v3 =	vadd.f32 v60, v3;
	_ =	sdelay $0x1  }
0x103: {  	[tilespmem:s11+$0x100] =	vst v3;
	s11 =	sor.u32 $0x1C50, s4  }
0x104: {  	v3 =	vld [tilespmem:s11+$0x100]  }
0x105: {  	v61 =	vld [tilespmem:s11+$0x8100];
	_ =	sdelay $0x4  }
0x106: {  	v3 =	vadd.f32 v61, v3;
	_ =	sdelay $0x1  }
0x107: {  	[tilespmem:s11+$0x100] =	vst v3;
	s11 =	sor.u32 $0x1C60, s4  }
0x108: {  	v3 =	vld [tilespmem:s11+$0x100]  }
0x109: {  	v62 =	vld [tilespmem:s11+$0x8100];
	_ =	sdelay $0x4  }
0x10a: {  	v3 =	vadd.f32 v62, v3;
	_ =	sdelay $0x1  }
0x10b: {  	[tilespmem:s11+$0x100] =	vst v3;
	s11 =	sor.u32 $0x1C70, s4  }
0x10c: {  	v3 =	vld [tilespmem:s11+$0x100]  }
0x10d: {  	v63 =	vld [tilespmem:s11+$0x8100];
	_ =	sdelay $0x1  }
0x10e: {  	p1 =	sne.s32 s31, $0xF80  }
.Ltmp0:
0x10f: {  	_ = 	snop;
	(pc) =	sbr.rel @p1 .LBB2_3-.Ltmp0, $4  }
0x110: {  	_ = 	snop  }
0x111: {  	v3 =	vadd.f32 v63, v3  }
0x112: {  	s28 =	sadd.s32 $0x1, s28  }
0x113: {  	s29 =	sadd.s32 $0x400, s29;
	s31 =	sadd.s32 $0x80, s31;
	s30 =	sadd.s32 $0x400, s30;
	[tilespmem:s11+$0x100] =	vst v3  }
0x114: {  	s0 =	sshll.u32 s26, $0x7;
	s4 =	rddreg [dreg:$0x1]  }
.Ltmp1:
0x115: {  	s31 =	simm.s32 $0x0;
	s0 =	sadd.s32 s4, s0;
	(pc) =	sbr.rel @p0 .LBB2_2-.Ltmp1, $4  }
0x116: {  	[hbm4b:s0+s31] =	stream.linear.scatter [tilespmem:s13], [sflag:$0x3], $0x8000, $0x38;
	[tilespmem:$0x10100] =	vst v63  }
0x117: {  	_ =	swait.ge [sflag:s12], $0x8000  }
0x118: {  	[sflag:s12] =	ssyncset.done $0x0  }
0x119: {  	p1 =	por $0x0, $0x0;
	s0 =	simm.s32 $0x20;
	[sflag:s12] =	ssyncadd.s32 $0xFFFF8000  }
0x11a: {  	s4 =	rddreg [dreg:$0x4]  }
0x11b: {  	s0 =	rddreg [dreg:$0x3];
	s4 =	sadd.s32 $0x1, s4  }
0x11c: {  	p0 =	sne.s32 s4, s0  }
.Ltmp2:
0x11d: {  	_ = 	snop;
	(pc) =	sbr.rel @p0 .LBB2_1-.Ltmp2, $1  }
0x11e: {  	_ =	sdelay $0x3  }
0x11f: {  	_ =	sfence.sel $0x180000  }
0x120: {  	[bflag:$0x0] =	sbarrier.arrive $0xFFFF  }
0x121: {  	_ =	strace $0x9000004A  }
0x122: {  	s0 =	stileid.u32;
	[bflag:$0x2] =	sbarrier.arrive $0xFFFF  }
0x123: {  	p0 =	sne.s32 s0, $0x0;
	s0 =	rddreg [dreg:$0x2]  }
0x124: {  	s0 =	sadd.s32 @!p0 $0x100000, s0  }
0x125: {  	[sflag:s0] =	ssyncadd.tile.s32 @!p0 $0x1;
	_ =	shalt  }
.Lfunc_end2:
_tile_overlayer_lowered:
.L_overlay_start_2:
0x126: {  	(tag) =	ssettag $0x2  }
0x127: {  	s0 =	rddreg [dreg:$0x0];
	s2 =	stileid.u32  }
0x128: {  	s1 =	rddreg [dreg:$0x1];
	p0 =	sne.s32 s2, $0x0  }
0x129: {  	s3 =	rddreg [dreg:$0x2];
	[bflag:$0x3] =	sbarrier.arrive $0xFFFF;
	s2 =	simm.s32 @!p0 $0x1C03  }
0x12a: {  	[timem:s3], [sflag:s2] =	dma.local @!p0 [hbm:s0], s1  }
0x12b: {  	s0 =	simm.s32 @!p0 $0x3  }
0x12c: {  	_ =	swait.ge @!p0 [sflag:s0], s1  }
0x12d: {  	s1 =	ssub.s32 @!p0 $0x0, s1;
	[sflag:s0] =	ssyncset.done @!p0 $0x0  }
0x12e: {  	[sflag:s0] =	ssyncadd.s32 @!p0 s1  }
0x12f: {  	[bflag:$0x3] =	sbarrier.arrive $0xFFFF  }
0x130: {  	_ =	shalt  }

// kernel: kernel.7.cloned.1.call-start
scs
__scs_entry_jumppad:
0x0: {  	(pc) =	sbr.rel $0x88, $3  }
0x1: {  	(tag) =	ssettag $0x0;
	lr =	simm.s32 $0x1  }
0x2: {  	[smem:$0x3F9C] =	sst lr;
	_ =	strace $0xD0000000  }
0x3: {  	_ = 	snop  }
0x4: {  	_ = 	snop  }
0x5: {  	_ = 	snop  }
0x6: {  	_ = 	snop  }
0x7: {  	_ = 	snop  }
__scs_overlays_trampoline_lowered:
0x8: {  	[smem:$0x3FAB] =	sst s0  }
0x9: {  	[smem:$0x3FAC] =	sst s1  }
0xa: {  	[smem:$0x3FAD] =	sst s2  }
0xb: {  	[smem:$0x3FAE] =	sst s3  }
0xc: {  	[smem:$0x3FAF] =	sst s4  }
0xd: {  	[smem:$0x3FB0] =	sst s5  }
0xe: {  	[smem:$0x3FB1] =	sst s6  }
0xf: {  	[smem:$0x3FB2] =	sst s7  }
0x10: {  	[smem:$0x3FB3] =	sst s8  }
0x11: {  	[smem:$0x3FB4] =	sst s9;
	s0 =	simm.s32 @!p0 $0x0  }
0x12: {  	s1 =	sld [smem:$0x3F9A];
	s0 =	simm.s32 @p0 $0x1  }
0x13: {  	[smem:$0x3FB5] =	sst s0;
	s0 =	simm.s32 @!p1 $0x0  }
0x14: {  	s2 =	sld [smem:$0x3F99];
	s0 =	simm.s32 @p1 $0x1  }
0x15: {  	[smem:$0x3FB6] =	sst s0;
	s0 =	simm.s32 @!p2 $0x0  }
0x16: {  	s3 =	sld [smem:$0x3FDB];
	s0 =	simm.s32 @p2 $0x1  }
0x17: {  	s4 =	simm.s32 $0x1BF5;
	[smem:$0x3FB8] =	sst s0  }
0x18: {  	s0 =	sld [smem:$0x3F9B];
	_ =	swait.ge [sflag:s4], $0x0  }
0x19: {  	s7 =	sld [smem:$0x3F9C]  }
0x1a: {  	s8 =	sadd.s32 $0xFFFFE003, lr  }
0x1b: {  	s9 =	sadd.s32 $0xFFFFFEF7, lr;
	s5 =	simm.s32 $0xFFFFFFFF;
	p2 =	slt.u32 s8, $0xFFFFF086  }
0x1c: {  	p1 =	slt.u32 s9, $0xF7A;
	s5 =	simm.s32 @!p2 $0x0  }
0x1d: {  	s5 =	simm.s32 @p1 $0x1;
	p0 =	seq.s32 s7, s2  }
0x1e: {  	s7 =	smul.u32 @!p0 $0xF7A, s2;
	p2 =	seq.s32 @!p0 s5, $0x0  }
0x1f: {  	s9 =	smul.u32 $0xF7A, s1;
	s8 =	simm.s32 @!p0 $0x1BF5;
	p2 =	por !p2, p0  }
0x20: {  	[sflag:s8] =	ssyncset.s32 @!p0 $0xFFFFF086;
	s6 =	sadd.s32 @!p0 s3, s7;
	s7 =	simm.s32 @!p0 $0x108  }
0x21: {  	s3 =	sadd.s32 s3, s9;
	s6 =	sadd.s32 @!p0 $0x88, s6;
	s7 =	simm.s32 @p2 $0x1082  }
0x22: {  	[simem:s7], [sflag:s8] =	dma.local @!p0 [hbm:s6], $0xF7A  }
0x23: {  	s9 =	sor.u32 $0xD0000000, s2;
	s6 =	simm.s32 $0x108;
	_ =	swait.ge @!p0 [sflag:s8], $0x0  }
0x24: {  	s3 =	sadd.s32 $0x88, s3;
	s6 =	simm.s32 @!p1 $0x1082;
	[sflag:s4] =	ssyncset.s32 $0xFFFFF086  }
0x25: {  	[simem:s6], [sflag:s4] =	dma.local [hbm:s3], $0xF7A  }
0x26: {  	[smem:$0x3F9C] =	sst s1;
	(tag) =	ssettag s2;
	_ =	strace s9  }
0x27: {  	s1 =	sld [smem:$0x3FAC]  }
0x28: {  	s2 =	sld [smem:$0x3FAD]  }
0x29: {  	s4 =	sld [smem:$0x3FAF]  }
0x2a: {  	p0 =	seq.s32 s5, $0x0;
	s5 =	sld [smem:$0x3FB0]  }
0x2b: {  	s6 =	sld [smem:$0x3FB1]  }
0x2c: {  	s7 =	sld [smem:$0x3FB2]  }
0x2d: {  	s3 =	simm.s32 $0x108;
	s8 =	sld [smem:$0x3FB3]  }
0x2e: {  	s3 =	simm.s32 @!p0 $0x1082;
	s9 =	sld [smem:$0x3FB4]  }
0x2f: {  	lr =	sadd.s32 s0, s3;
	s0 =	sld [smem:$0x3FAB]  }
0x30: {  	s3 =	sld [smem:$0x3FAE]  }
0x31: {  	[smem:$0x3FB7] =	sst s10  }
0x32: {  	s10 =	sld [smem:$0x3FB5];
	_ =	sdelay $0x3  }
0x33: {  	p0 =	seq.s32 s10, $0x1;
	s10 =	sld [smem:$0x3FB7];
	_ =	sdelay $0x3  }
0x34: {  	[smem:$0x3FB7] =	sst s10  }
0x35: {  	s10 =	sld [smem:$0x3FB6];
	_ =	sdelay $0x3  }
0x36: {  	p1 =	seq.s32 s10, $0x1;
	s10 =	sld [smem:$0x3FB7];
	_ =	sdelay $0x3  }
0x37: {  	[smem:$0x3FB7] =	sst s10  }
0x38: {  	s10 =	sld [smem:$0x3FB8]  }
0x39: {  	_ = 	snop;
	(pc) =	sbr.ind lr, $3  }
0x3a: {  	_ = 	snop  }
0x3b: {  	_ = 	snop  }
0x3c: {  	p2 =	seq.s32 s10, $0x1;
	s10 =	sld [smem:$0x3FB7]  }
0x3d: {  	_ =	shalt  }
0x3e: {  	_ =	shalt  }
0x3f: {  	_ =	shalt  }
0x40: {  	_ =	shalt  }
0x41: {  	_ =	shalt  }
0x42: {  	_ =	shalt  }
0x43: {  	_ =	shalt  }
0x44: {  	_ =	shalt  }
0x45: {  	_ =	shalt  }
0x46: {  	_ =	shalt  }
0x47: {  	_ =	shalt  }
0x48: {  	_ =	shalt  }
0x49: {  	_ =	shalt  }
0x4a: {  	_ =	shalt  }
0x4b: {  	_ =	shalt  }
0x4c: {  	_ =	shalt  }
0x4d: {  	_ =	shalt  }
0x4e: {  	_ =	shalt  }
0x4f: {  	_ =	shalt  }
0x50: {  	_ =	shalt  }
0x51: {  	_ =	shalt  }
0x52: {  	_ =	shalt  }
0x53: {  	_ =	shalt  }
0x54: {  	_ =	shalt  }
0x55: {  	_ =	shalt  }
0x56: {  	_ =	shalt  }
0x57: {  	_ =	shalt  }
0x58: {  	_ =	shalt  }
0x59: {  	_ =	shalt  }
0x5a: {  	_ =	shalt  }
0x5b: {  	_ =	shalt  }
0x5c: {  	_ =	shalt  }
0x5d: {  	_ =	shalt  }
0x5e: {  	_ =	shalt  }
0x5f: {  	_ =	shalt  }
0x60: {  	_ =	shalt  }
0x61: {  	_ =	shalt  }
0x62: {  	_ =	shalt  }
0x63: {  	_ =	shalt  }
0x64: {  	_ =	shalt  }
0x65: {  	_ =	shalt  }
0x66: {  	_ =	shalt  }
0x67: {  	_ =	shalt  }
0x68: {  	_ =	shalt  }
0x69: {  	_ =	shalt  }
0x6a: {  	_ =	shalt  }
0x6b: {  	_ =	shalt  }
0x6c: {  	_ =	shalt  }
0x6d: {  	_ =	shalt  }
0x6e: {  	_ =	shalt  }
0x6f: {  	_ =	shalt  }
0x70: {  	_ =	shalt  }
0x71: {  	_ =	shalt  }
0x72: {  	_ =	shalt  }
0x73: {  	_ =	shalt  }
0x74: {  	_ =	shalt  }
0x75: {  	_ =	shalt  }
0x76: {  	_ =	shalt  }
0x77: {  	_ =	shalt  }
0x78: {  	_ =	shalt  }
0x79: {  	_ =	shalt  }
0x7a: {  	_ =	shalt  }
0x7b: {  	_ =	shalt  }
0x7c: {  	_ =	shalt  }
0x7d: {  	_ =	shalt  }
0x7e: {  	_ =	shalt  }
0x7f: {  	_ =	shalt  }
0x80: {  	_ =	shalt  }
0x81: {  	_ =	shalt  }
0x82: {  	_ =	shalt  }
0x83: {  	_ =	shalt  }
0x84: {  	_ =	shalt  }
0x85: {  	_ =	shalt  }
0x86: {  	_ =	shalt  }
0x87: {  	_ =	shalt  }
.Lfunc_end0:
.L_simem_size_0:
called_computation_lowered:
.L_overlay_start_0:
0x88: {  	s2 =	sld [smem:$0x3FD9]  }
0x89: {  	s3 =	sld [smem:$0x3FFE];
	_ =	sdelay $0x1  }
0x8a: {  	s1 =	srdreg.scid  }
0x8b: {  	s0 =	sand.u32 $0x1, s1  }
0x8c: {  	s17 =	sshll.u32 s0, $0xA;
	s2 =	sadd.s32 s3, s2  }
0x8d: {  	s2 =	sadd.s32 s2, s17  }
0x8e: {  	[smem:$0x3FC3] =	sst s2  }
0x8f: {  	_ = 	snop  }
0x90: {  	s2 =	sld [smem:$0x3FC9]  }
0x91: {  	s18 =	sld [smem:$0x3FD0];
	(tm) =	ssettm $0x1  }
0x92: {  	s4 =	sld [smem:$0x3FFB];
	_ =	sdelay $0x3  }
0x93: {  	_ =	strace s4  }
0x94: {  	s4 =	sld [smem:$0x3FFC];
	_ =	sdelay $0x3  }
0x95: {  	_ =	strace s4  }
0x96: {  	s4 =	sld [smem:$0x3FFD];
	_ =	sdelay $0x3  }
0x97: {  	_ =	strace s4  }
0x98: {  	_ =	strace $0x8FFFFFFF  }
0x99: {  	s19 =	sld [smem:$0x3FDB];
	_ =	sdelay $0x1  }
0x9a: {  	s5 =	simm.s32 $_scs_section_size  }
0x9b: {  	s6 =	simm.s32 $_size__tile_overlayer_lowered;
	s7 =	simm.s32 $_tile_overlayer_lowered  }
0x9c: {  	s22 =	simm.s32 $0x1BFF;
	s21 =	sshll.u32 s7, $0x1;
	s4 =	sadd.s32 s5, s19  }
0x9d: {  	s8 =	simm.s32 $0x0;
	s20 =	sshll.u32 s6, $0x1;
	s6 =	sadd.s32 s21, s4  }
0x9e: {  	[timem:s8], [sflag:s22] =	dma.local [hbm:s6], s20  }
0x9f: {  	_ =	swait.ge [sflag:s22], s20  }
0xa0: {  	s5 =	ssub.s32 $0x0, s20;
	[sflag:s22] =	ssyncset.done $0x0  }
0xa1: {  	[sflag:s22] =	ssyncadd.s32 s5;
	_ =	sdelay $0x1  }
0xa2: {  	s23 =	simm.s32 $0x1B8B  }
0xa3: {  	_ =	swait.ge [sflag:s23], $0x1  }
0xa4: {  	[sflag:s23] =	ssyncset.done $0x0  }
0xa5: {  	s25 =	simm.s32 $0x1B8E;
	s24 =	sld [smem:$0x3FFE];
	[sflag:s23] =	ssyncadd.s32 $0xFFFFFFFF  }
0xa6: {  	s26 =	simm.s32 $execute0_lowered;
	[smem:$0x3FD2] =	sst s25  }
0xa7: {  	s6 =	sshll.u32 s26, $0x1;
	_ =	strace $0x80000046;
	[dreg:$0x1] =	wrdreg $0xFFFFFFFF  }
0xa8: {  	s28 =	simm.s32 $_size_execute0_lowered;
	s4 =	sadd.s32 s4, s6;
	[dreg:$0x0] =	wrdreg $0x0  }
0xa9: {  	s6 =	sshll.u32 s28, $0x1;
	[dreg:$0x2] =	wrdreg s4  }
0xaa: {  	[dreg:$0x3] =	wrdreg s6  }
0xab: {  	[dreg:$0x4] =	wrdreg $0xC0  }
0xac: {  	_ =	task [dreg:s8], $0x5FFFF  }
0xad: {  	[dreg:$0x1] =	wrdreg $0xFFFFFFFF  }
0xae: {  	[dreg:$0x0] =	wrdreg $0x60  }
0xaf: {  	[dreg:$0x2] =	wrdreg s2  }
0xb0: {  	[dreg:$0x3] =	wrdreg s18  }
0xb1: {  	[dreg:$0x4] =	wrdreg s24  }
0xb2: {  	[dreg:$0x5] =	wrdreg $0x9  }
0xb3: {  	_ =	task.clear_ibuf [dreg:s8], $0x6FFFF;
	_ =	strace $0x90000046  }
0xb4: {  	s29 =	simm.s32 $0x9;
	_ =	strace $0x80000048  }
0xb5: {  	_ =	swait.ge [sflag:s29], $0x1  }
0xb6: {  	[sflag:s29] =	ssyncadd.s32 $0xFFFFFFFF  }
0xb7: {  	_ =	strace $0x90000048  }
0xb8: {  	_ =	sfence  }
0xb9: {  	s30 =	sld [smem:$0x0];
	_ =	sdelay $0x2  }
0xba: {  	s31 =	sshll.u32 s1, $0xD;
	s1 =	sshrl.u32 s1, $0x2  }
0xbb: {  	s3 =	sand.u32 $0x4000, s31;
	s1 =	sadd.s32 s1, s30  }
0xbc: {  	s0 =	sor.u32 s3, s0;
	s1 =	sshll.u32 s1, $0x11  }
0xbd: {  	s0 =	sor.u32 s1, s0  }
0xbe: {  	s0 =	sadd.s32 $0x8F2B, s0  }
0xbf: {  	[sflag:s0] =	ssyncadd.remote.s32 $0x1  }
0xc0: {  	_ =	sfence.sel $0xFFFF  }
0xc1: {  	[dreg:$0x0] =	wrdreg $0xFFFFFFFF;
	(pc) =	sbr.abs _section_cstart, $3  }
0xc2: {  	[dreg:$0x1] =	wrdreg $0xFFFFFFFF  }
0xc3: {  	_ =	task.clear_ibuf [dreg:s8], $0x2FFFF;
	_ =	strace $0x9FFFFFFF  }
0xc4: {  	(tm) =	ssettm $0x7FFFFFFF  }
0xc5: {  	_ =	shalt  }
tec
execute0_lowered:
.L_overlay_start_1:
0x0: {  	(tag) =	ssettag $0x1  }
0x1: {  	s1 =	rddreg [dreg:$0x0]  }
0x2: {  	s9 =	rddreg [dreg:$0x1]  }
0x3: {  	s8 =	rddreg [dreg:$0x2];
	s2 =	srdreg.scid;
	s3 =	simm.s32 $0x0  }
0x4: {  	s15 =	simm.s32 $0x2080;
	s16 =	simm.s32 $0x2880;
	s17 =	simm.s32 $0x3080  }
0x5: {  	s18 =	simm.s32 $0x3880;
	s19 =	simm.s32 $0x4080;
	s20 =	simm.s32 $0x4880  }
0x6: {  	s21 =	simm.s32 $0x5080;
	s22 =	simm.s32 $0x5880;
	s23 =	simm.s32 $0x6080  }
0x7: {  	s24 =	simm.s32 $0x6880;
	s25 =	simm.s32 $0x7080;
	s26 =	simm.s32 $0x7880  }
0x8: {  	s28 =	simm.s32 $0x1;
	s7 =	sand.u32 $0x1, s2;
	s2 =	stileid.u32  }
0x9: {  	s29 =	simm.s32 $0x0;
	[smem:$0x7FF] =	sst s3;
	s10 =	smul.u32 $0x180, s2  }
0xa: {  	s6 =	sadd.s32 $0x300, s1;
	s4 =	ssub.s32 $0x2, s7;
	s12 =	smul.u32 $0xC0, s7  }
0xb: {  	_ =	strace $0x80000047;
	s13 =	smul.u32 $0xC000, s2;
	s5 =	sshrl.u32 s4, $0x1  }
0xc: {  	s14 =	smul.u32 $0x6000, s7;
	s11 =	ssub.s32 s4, s5;
	s4 =	sadd.s32 $0x100, s1  }
0xd: {  	s5 =	sadd.s32 $0x200, s1;
	s10 =	sadd.s32 s12, s10;
	s8 =	sadd.s32 s13, s8  }
0xe: {  	v2 =	vlaneseq.u32;
	s12 =	simm.s32 $0x880;
	s13 =	simm.s32 $0x1080;
	s7 =	smax.u32 s11, $0x1  }
0xf: {  	vm0 =	vmmov $0xffff;
	v1 =	vshrl.u32 v2, $0x3;
	s10 =	sshrl.u32 s10, $0x3;
	s8 =	sadd.s32 s14, s8;
	s11 =	simm.s32 $0x80  }
0x10: {  	v0 =	vand.u32 $0x7, v2;
	v2 =	vor.u32 $0x8, v2;
	v1 =	vmul.u32 $0x8, v1;
	s14 =	simm.s32 $0x1880;
	s9 =	sadd.s32 s10, s9;
	s10 =	simm.s32 $0x2  }
.LBB2_1:
0x11: {  	s30 =	smov.u32 s8;
	s31 =	simm.s32 $0x0  }
.LBB2_2:
0x12: {  	s0 =	sadd.s32 s31, s9  }
0x13: {  	[tilespmem:s3], [sflag:$0x2] =	stream.linear.gather [hbm4b:s0+s3], $0x20, $0x38;
	[tilespmem:$0x8080] =	vst v63  }
0x14: {  	_ =	swait.ge [sflag:s10], $0x20  }
0x15: {  	[sflag:s10] =	ssyncset.done $0x0  }
0x16: {  	[sflag:s10] =	ssyncadd.s32 $0xFFFFFFE0  }
0x17: {  	v3 =	vld [tilespmem:$0x0];
	_ =	sdelay $0x4  }
0x18: {  	v4 =	vshll.u32 v3, $0x3  }
0x19: {  	v3 =	vand.u32 $0x7, v3;
	v4 =	vand.u32 $0xFFFFFFC0, v4  }
0x1a: {  	v3 =	vor.u32 v3, v4  }
0x1b: {  	v4 =	vperm.xlane v3, v0;
	_ =	sdelay $0x1  }
0x1c: {  	v4 =	vadd.s32 v1, v4;
	_ =	sdelay $0x4  }
0x1d: {  	[tilespmem:s11], [sflag:$0x1] =	stream.indirect_vreg.gather [hbm4b:s1+s3], $0x80, v4, vm0, $0xb8;
	[tilespmem:$0x8080] =	vst v63  }
0x1e: {  	v3 =	vperm.xlane v3, v2  }
0x1f: {  	[tilespmem:s12], [sflag:$0x1] =	stream.indirect_vreg.gather [hbm4b:s4+s3], $0x80, v4, vm0, $0xb8;
	[tilespmem:$0x8080] =	vst v63  }
0x20: {  	v3 =	vadd.s32 v1, v3  }
0x21: {  	[tilespmem:s13], [sflag:$0x1] =	stream.indirect_vreg.gather [hbm4b:s5+s3], $0x80, v4, vm0, $0xb8;
	[tilespmem:$0x8080] =	vst v63  }
0x22: {  	_ = 	snop  }
0x23: {  	[tilespmem:s14], [sflag:$0x1] =	stream.indirect_vreg.gather [hbm4b:s6+s3], $0x80, v4, vm0, $0xb8;
	[tilespmem:$0x8080] =	vst v63  }
0x24: {  	_ = 	snop  }
0x25: {  	[tilespmem:s15], [sflag:$0x1] =	stream.indirect_vreg.gather [hbm4b:s1+s3], $0x80, v3, vm0, $0xb8;
	[tilespmem:$0x8080] =	vst v63  }
0x26: {  	_ = 	snop  }
0x27: {  	[tilespmem:s16], [sflag:$0x1] =	stream.indirect_vreg.gather [hbm4b:s4+s3], $0x80, v3, vm0, $0xb8;
	[tilespmem:$0x8080] =	vst v63  }
0x28: {  	_ = 	snop  }
0x29: {  	[tilespmem:s17], [sflag:$0x1] =	stream.indirect_vreg.gather [hbm4b:s5+s3], $0x80, v3, vm0, $0xb8;
	[tilespmem:$0x8080] =	vst v63  }
0x2a: {  	_ = 	snop  }
0x2b: {  	[tilespmem:s18], [sflag:$0x1] =	stream.indirect_vreg.gather [hbm4b:s6+s3], $0x80, v3, vm0, $0xb8;
	[tilespmem:$0x8080] =	vst v63  }
0x2c: {  	v3 =	vld [tilespmem:$0x10];
	_ =	sdelay $0x4  }
0x2d: {  	v63 =	vshll.u32 v3, $0x3  }
0x2e: {  	v3 =	vand.u32 $0x7, v3;
	v4 =	vand.u32 $0xFFFFFFC0, v63  }
0x2f: {  	v3 =	vor.u32 v3, v4  }
0x30: {  	v4 =	vperm.xlane v3, v0;
	_ =	sdelay $0x1  }
0x31: {  	v4 =	vadd.s32 v1, v4;
	_ =	sdelay $0x4  }
0x32: {  	[tilespmem:s19], [sflag:$0x1] =	stream.indirect_vreg.gather [hbm4b:s1+s3], $0x80, v4, vm0, $0xb8;
	[tilespmem:$0x8080] =	vst v63  }
0x33: {  	v3 =	vperm.xlane v3, v2  }
0x34: {  	[tilespmem:s20], [sflag:$0x1] =	stream.indirect_vreg.gather [hbm4b:s4+s3], $0x80, v4, vm0, $0xb8;
	[tilespmem:$0x8080] =	vst v63  }
0x35: {  	v3 =	vadd.s32 v1, v3  }
0x36: {  	[tilespmem:s21], [sflag:$0x1] =	stream.indirect_vreg.gather [hbm4b:s5+s3], $0x80, v4, vm0, $0xb8;
	[tilespmem:$0x8080] =	vst v63  }
0x37: {  	_ = 	snop  }
0x38: {  	[tilespmem:s22], [sflag:$0x1] =	stream.indirect_vreg.gather [hbm4b:s6+s3], $0x80, v4, vm0, $0xb8;
	[tilespmem:$0x8080] =	vst v63  }
0x39: {  	_ = 	snop  }
0x3a: {  	[tilespmem:s23], [sflag:$0x1] =	stream.indirect_vreg.gather [hbm4b:s1+s3], $0x80, v3, vm0, $0xb8;
	[tilespmem:$0x8080] =	vst v63  }
0x3b: {  	_ = 	snop  }
0x3c: {  	[tilespmem:s24], [sflag:$0x1] =	stream.indirect_vreg.gather [hbm4b:s4+s3], $0x80, v3, vm0, $0xb8;
	[tilespmem:$0x8080] =	vst v63  }
0x3d: {  	_ = 	snop  }
0x3e: {  	[tilespmem:s25], [sflag:$0x1] =	stream.indirect_vreg.gather [hbm4b:s5+s3], $0x80, v3, vm0, $0xb8;
	[tilespmem:$0x8080] =	vst v63  }
0x3f: {  	_ = 	snop  }
0x40: {  	[tilespmem:s26], [sflag:$0x1] =	stream.indirect_vreg.gather [hbm4b:s6+s3], $0x80, v3, vm0, $0xb8;
	[tilespmem:$0x8080] =	vst v63  }
0x41: {  	_ =	swait.ge [sflag:s28], $0x8000  }
0x42: {  	p0 =	sne.s32 s31, $0x14;
	[sflag:s28] =	ssyncset.done $0x0  }
.Ltmp0:
0x43: {  	[sflag:s28] =	ssyncadd.s32 $0xFFFF8000;
	(pc) =	sbr.rel @p0 .LBB2_2-.Ltmp0, $4  }
0x44: {  	[hbm4b:s30+s3] =	stream.linear.scatter [tilespmem:s11], [sflag:$0x2], $0x8000, $0x38;
	[tilespmem:$0x8080] =	vst v63  }
0x45: {  	_ =	swait.ge [sflag:s10], $0x8000  }
0x46: {  	[sflag:s10] =	ssyncset.done $0x0  }
0x47: {  	s31 =	sadd.s32 $0x4, s31;
	s30 =	sadd.s32 $0x1000, s30;
	[sflag:s10] =	ssyncadd.s32 $0xFFFF8000  }
0x48: {  	s29 =	sadd.s32 $0x1, s29  }
0x49: {  	p0 =	sne.s32 s29, s7  }
.Ltmp1:
0x4a: {  	_ = 	snop;
	(pc) =	sbr.rel @p0 .LBB2_1-.Ltmp1, $1  }
0x4b: {  	_ =	sdelay $0x3  }
0x4c: {  	_ =	sfence.sel $0x180000  }
0x4d: {  	[bflag:$0x0] =	sbarrier.arrive $0xFFFF  }
0x4e: {  	_ =	strace $0x90000047  }
0x4f: {  	[bflag:$0x2] =	sbarrier.arrive $0xFFFF  }
0x50: {  	p0 =	sne.s32 s2, $0x0;
	s0 =	rddreg [dreg:$0x3]  }
0x51: {  	s0 =	sadd.s32 @!p0 $0x100000, s0  }
0x52: {  	[sflag:s0] =	ssyncadd.tile.s32 @!p0 $0x1;
	_ =	shalt  }
.Lfunc_end2:
_tile_overlayer_lowered:
.L_overlay_start_2:
0x53: {  	(tag) =	ssettag $0x2  }
0x54: {  	s0 =	rddreg [dreg:$0x0];
	s2 =	stileid.u32  }
0x55: {  	s1 =	rddreg [dreg:$0x1];
	p0 =	sne.s32 s2, $0x0  }
0x56: {  	s3 =	rddreg [dreg:$0x2];
	[bflag:$0x3] =	sbarrier.arrive $0xFFFF;
	s2 =	simm.s32 @!p0 $0x1C02  }
0x57: {  	[timem:s3], [sflag:s2] =	dma.local @!p0 [hbm:s0], s1  }
0x58: {  	s0 =	simm.s32 @!p0 $0x2  }
0x59: {  	_ =	swait.ge @!p0 [sflag:s0], s1  }
0x5a: {  	s1 =	ssub.s32 @!p0 $0x0, s1;
	[sflag:s0] =	ssyncset.done @!p0 $0x0  }
0x5b: {  	[sflag:s0] =	ssyncadd.s32 @!p0 s1  }
0x5c: {  	[bflag:$0x3] =	sbarrier.arrive $0xFFFF  }
0x5d: {  	_ =	shalt  }

</sc_bundles>
